<compile_context>
chip_gen: v7x
topology: tpu7x:2x2x1
jax: 0.10.2.dev20260603
libtpu: 0.0.44.dev20260713+nightly
codegen_flags: <defaults>
</compile_context>

<pallas_src>
import functools

import jax
import jax.numpy as jnp
from jax import lax
from jax.experimental import pallas as pl
from jax.experimental.pallas import tpu as pltpu
from jax.experimental.pallas import tpu_sc as plsc

NUM_CORES = 2
NUM_SUBCORES = 16
NW = NUM_CORES * NUM_SUBCORES
LANES = 16
HP = 128
NS = 4


@functools.cache
def _build(B, S, H, V):
    bw = B // NW
    assert B % (NW * LANES) == 0 and S % NS == 0 and H % LANES == 0

    mesh = plsc.VectorSubcoreMesh(
        core_axis_name="c", subcore_axis_name="s",
        num_cores=NUM_CORES, num_subcores=NUM_SUBCORES)

    def body(x_hbm, emb_hbm, pos_hbm, out_hbm, pos_v, *rest):
        idx = rest[:NS]
        bg = rest[NS:2 * NS]
        bt = rest[2 * NS:3 * NS]
        isem = rest[3 * NS:4 * NS]
        gsem = rest[4 * NS:5 * NS]
        osem = rest[5 * NS:6 * NS]

        wid = lax.axis_index("s") * NUM_CORES + lax.axis_index("c")
        col0 = pl.multiple_of(wid * bw, bw)
        pltpu.sync_copy(pos_hbm, pos_v)

        def idx_dma(s, b):
            pltpu.async_copy(
                x_hbm.at[pl.ds(s * B + col0, bw)], idx[b], isem[b])

        def gather(b):
            pltpu.async_copy(emb_hbm.at[idx[b]], bg[b], gsem[b])

        for b in range(NS):
            idx_dma(b, b)
        for b in range(3):
            pltpu.make_async_copy(
                x_hbm.at[pl.ds(0, bw)], idx[b], isem[b]).wait()
            gather(b)

        iota = lax.iota(jnp.int32, LANES)

        def outer(i, _):
            for b in range(NS):
                s = i * NS + b
                b3 = (b + 3) % NS
                pltpu.make_async_copy(emb_hbm.at[idx[b]], bg[b],
                                      gsem[b]).wait()

                @pl.when(s + 3 < S)
                def _():
                    pltpu.make_async_copy(
                        x_hbm.at[pl.ds(0, bw)], idx[b3], isem[b3]).wait()
                    pltpu.async_copy(emb_hbm.at[idx[b3]], bg[b3], gsem[b3])

                @pl.when(s + NS < S)
                def _():
                    idx_dma(s + NS, b)

                @pl.when(s >= NS)
                def _():
                    pltpu.make_async_copy(
                        bt[b], out_hbm.at[0, :, pl.ds(col0, bw)],
                        osem[b]).wait()

                svec = jnp.full((LANES,), s, jnp.int32)

                @plsc.parallel_loop(0, (H // LANES) * LANES, unroll=2)
                def t_body(t):
                    h0 = (t >> 4) * LANES
                    d = t & (LANES - 1)
                    hrot = h0 + ((iota + d) & (LANES - 1))
                    p = plsc.load_gather(pos_v, [svec, hrot])
                    for c in range(bw // LANES):
                        tl = iota + (c * LANES)
                        v = plsc.load_gather(bg[b], [tl, hrot])
                        plsc.store_scatter(bt[b], [hrot, tl], v + p)
                pltpu.async_copy(
                    bt[b], out_hbm.at[s, :, pl.ds(col0, bw)], osem[b])

            return 0

        lax.fori_loop(0, S // NS, outer, 0)
        for b in range(NS):
            pltpu.make_async_copy(
                bt[b], out_hbm.at[0, :, pl.ds(col0, bw)], osem[b]).wait()

    return pl.kernel(
        body,
        out_type=jax.ShapeDtypeStruct((S, H, B), jnp.float32),
        mesh=mesh,
        scratch_types=(
            [pltpu.VMEM((S, H), jnp.float32)]
            + [pltpu.VMEM((bw,), jnp.int32)] * NS
            + [pltpu.VMEM((bw, H), jnp.float32)] * NS
            + [pltpu.VMEM((H, bw), jnp.float32)] * NS
            + [pltpu.SemaphoreType.DMA] * (3 * NS)
        ),
        compiler_params=pltpu.CompilerParams(
            needs_layout_passes=False, use_tc_tiling_on_sc=False),
    )


def kernel(x, emb_table, pos_table):
    B, S = x.shape
    V, H = emb_table.shape
    xr = x.T.reshape(B * S).astype(jnp.int32)
    out_shb = _build(B, S, H, V)(xr, emb_table, pos_table[:S])
    return out_shb.transpose(2, 0, 1)

# --- scband reference (transcript-rebuilt; emitter-appended) ---
"""Pipeline reference for scband-token-embedding-5428838662268 (READ-ONLY COPY).

The authoritative reference and input builder live on the scoring server;
editing this copy changes nothing except your own understanding.
"""

import jax, jax.numpy as jnp
import numpy as np

NUM_VOCAB = 100000
MAXLEN = 200
NUM_HID = 64
BATCH = 4096
SEQ = 200

def setup_inputs(seed: int = 0) -> dict:
    key = jax.random.key(seed)
    k1, k2, k3 = jax.random.split(key, 3)
    x = jax.random.randint(k1, (BATCH, SEQ), 0, NUM_VOCAB, dtype=jnp.int64 if jax.config.jax_enable_x64 else jnp.int32)
    # learned parameters: token embedding table and positional embedding table
    emb_table = jax.random.normal(k2, (NUM_VOCAB, NUM_HID), dtype=jnp.float32) * 0.05
    pos_table = jax.random.normal(k3, (MAXLEN, NUM_HID), dtype=jnp.float32) * 0.05
    return {"x": x, "emb_table": emb_table, "pos_table": pos_table}

def reference(x, emb_table, pos_table):
    # token embedding lookup (gather)
    tok = jnp.take(emb_table, x, axis=0)              # [B, S, H]
    # positional embedding for positions 0..S-1
    seqlen = x.shape[-1]
    positions = jnp.arange(0, seqlen)
    pos = jnp.take(pos_table, positions, axis=0)      # [S, H]
    return tok + pos[None, :, :]

if __name__ == "__main__":
    import jax
    _d = setup_inputs()
    print(jax.jit(kernel)(*tuple(_d.values())))

</pallas_src>

<mosaic_0001>
#map = affine_map<(d0, d1) -> (0)>
#map1 = affine_map<(d0, d1) -> (0, 0)>
#map2 = affine_map<(d0, d1) -> (0, 0, 0)>
module attributes {stable_mosaic.version = 14 : i64} {
  func.func @body(%arg0: i32, %arg1: i32, %arg2: memref<819200xi32, #tpu.memory_space<hbm>>, %arg3: memref<100000x64xf32, #tpu.memory_space<hbm>>, %arg4: memref<200x64xf32, #tpu.memory_space<hbm>>, %arg5: memref<200x64x4096xf32, #tpu.memory_space<hbm>>, %arg6: memref<200x64xf32, #tpu.memory_space<vmem>>, %arg7: memref<128xi32, #tpu.memory_space<vmem>>, %arg8: memref<128xi32, #tpu.memory_space<vmem>>, %arg9: memref<128xi32, #tpu.memory_space<vmem>>, %arg10: memref<128xi32, #tpu.memory_space<vmem>>, %arg11: memref<128x64xf32, #tpu.memory_space<vmem>>, %arg12: memref<128x64xf32, #tpu.memory_space<vmem>>, %arg13: memref<128x64xf32, #tpu.memory_space<vmem>>, %arg14: memref<128x64xf32, #tpu.memory_space<vmem>>, %arg15: memref<64x128xf32, #tpu.memory_space<vmem>>, %arg16: memref<64x128xf32, #tpu.memory_space<vmem>>, %arg17: memref<64x128xf32, #tpu.memory_space<vmem>>, %arg18: memref<64x128xf32, #tpu.memory_space<vmem>>, %arg19: memref<!tpu.dma_semaphore, #tpu.memory_space<semaphore_mem>>, %arg20: memref<!tpu.dma_semaphore, #tpu.memory_space<semaphore_mem>>, %arg21: memref<!tpu.dma_semaphore, #tpu.memory_space<semaphore_mem>>, %arg22: memref<!tpu.dma_semaphore, #tpu.memory_space<semaphore_mem>>, %arg23: memref<!tpu.dma_semaphore, #tpu.memory_space<semaphore_mem>>, %arg24: memref<!tpu.dma_semaphore, #tpu.memory_space<semaphore_mem>>, %arg25: memref<!tpu.dma_semaphore, #tpu.memory_space<semaphore_mem>>, %arg26: memref<!tpu.dma_semaphore, #tpu.memory_space<semaphore_mem>>, %arg27: memref<!tpu.dma_semaphore, #tpu.memory_space<semaphore_mem>>, %arg28: memref<!tpu.dma_semaphore, #tpu.memory_space<semaphore_mem>>, %arg29: memref<!tpu.dma_semaphore, #tpu.memory_space<semaphore_mem>>, %arg30: memref<!tpu.dma_semaphore, #tpu.memory_space<semaphore_mem>>) attributes {dimension_semantics = [#tpu.dimension_semantics<core_parallel>, #tpu.dimension_semantics<subcore_parallel>], iteration_bounds = array<i64: 2, 16>, scalar_prefetch = 0 : i64, scratch_operands = 25 : i64, tpu.core_type = #tpu.core_type<sc_vector_subcore>, window_params = [{transform_indices = #map}, {transform_indices = #map1}, {transform_indices = #map1}, {transform_indices = #map2}]} {
    %mul3A = arith.constant 2 : i32
    %mul3A_0 = arith.muli %arg1, %mul3A : i32
    %add3A = arith.addi %mul3A_0, %arg0 : i32
    %mul3A_1 = arith.constant 128 : i32
    %mul3A_2 = arith.muli %add3A, %mul3A_1 : i32
    %multiple_of3A = tpu.assume_multiple %mul3A_2, 128 : i32
    "tpu.region"() ({
      %run_scoped3A = tpu.sem_alloc : memref<!tpu.dma_semaphore, #tpu.memory_space<semaphore_mem>>
      tpu.enqueue_dma source(%arg4 : memref<200x64xf32, #tpu.memory_space<hbm>>) target(%arg6 : memref<200x64xf32, #tpu.memory_space<vmem>>) target_semaphore(%run_scoped3A : memref<!tpu.dma_semaphore, #tpu.memory_space<semaphore_mem>>)
      tpu.wait_dma2 semaphore(%run_scoped3A : memref<!tpu.dma_semaphore, #tpu.memory_space<semaphore_mem>>) src(%arg4 : memref<200x64xf32, #tpu.memory_space<hbm>>) dst(%arg6 : memref<200x64xf32, #tpu.memory_space<vmem>>)
      tpu.yield
    }) : () -> ()
    %add3A_3 = arith.constant 0 : i32
    %add3A_4 = arith.addi %add3A_3, %multiple_of3A : i32
    %dma_start3A = tpu.memref_slice %arg2[%add3A_4] : memref<819200xi32, #tpu.memory_space<hbm>> -> memref<128xi32, #tpu.memory_space<hbm>>
    %dma_start3A_5 = tpu.memref_slice %arg2[%add3A_4] : memref<819200xi32, #tpu.memory_space<hbm>> -> memref<128xi32, #tpu.memory_space<hbm>>
    tpu.enqueue_dma source(%dma_start3A_5 : memref<128xi32, #tpu.memory_space<hbm>>) target(%arg7 : memref<128xi32, #tpu.memory_space<vmem>>) target_semaphore(%arg19 : memref<!tpu.dma_semaphore, #tpu.memory_space<semaphore_mem>>)
    %add3A_6 = arith.constant 4096 : i32
    %add3A_7 = arith.addi %add3A_6, %multiple_of3A : i32
    %dma_start3A_8 = tpu.memref_slice %arg2[%add3A_7] : memref<819200xi32, #tpu.memory_space<hbm>> -> memref<128xi32, #tpu.memory_space<hbm>>
    %dma_start3A_9 = tpu.memref_slice %arg2[%add3A_7] : memref<819200xi32, #tpu.memory_space<hbm>> -> memref<128xi32, #tpu.memory_space<hbm>>
    tpu.enqueue_dma source(%dma_start3A_9 : memref<128xi32, #tpu.memory_space<hbm>>) target(%arg8 : memref<128xi32, #tpu.memory_space<vmem>>) target_semaphore(%arg20 : memref<!tpu.dma_semaphore, #tpu.memory_space<semaphore_mem>>)
    %add3A_10 = arith.constant 8192 : i32
    %add3A_11 = arith.addi %add3A_10, %multiple_of3A : i32
    %dma_start3A_12 = tpu.memref_slice %arg2[%add3A_11] : memref<819200xi32, #tpu.memory_space<hbm>> -> memref<128xi32, #tpu.memory_space<hbm>>
    %dma_start3A_13 = tpu.memref_slice %arg2[%add3A_11] : memref<819200xi32, #tpu.memory_space<hbm>> -> memref<128xi32, #tpu.memory_space<hbm>>
    tpu.enqueue_dma source(%dma_start3A_13 : memref<128xi32, #tpu.memory_space<hbm>>) target(%arg9 : memref<128xi32, #tpu.memory_space<vmem>>) target_semaphore(%arg21 : memref<!tpu.dma_semaphore, #tpu.memory_space<semaphore_mem>>)
    %add3A_14 = arith.constant 12288 : i32
    %add3A_15 = arith.addi %add3A_14, %multiple_of3A : i32
    %dma_start3A_16 = tpu.memref_slice %arg2[%add3A_15] : memref<819200xi32, #tpu.memory_space<hbm>> -> memref<128xi32, #tpu.memory_space<hbm>>
    %dma_start3A_17 = tpu.memref_slice %arg2[%add3A_15] : memref<819200xi32, #tpu.memory_space<hbm>> -> memref<128xi32, #tpu.memory_space<hbm>>
    tpu.enqueue_dma source(%dma_start3A_17 : memref<128xi32, #tpu.memory_space<hbm>>) target(%arg10 : memref<128xi32, #tpu.memory_space<vmem>>) target_semaphore(%arg22 : memref<!tpu.dma_semaphore, #tpu.memory_space<semaphore_mem>>)
    %dma_wait3A = arith.constant 0 : i32
    %dma_wait3A_18 = tpu.memref_slice %arg2[%dma_wait3A] : memref<819200xi32, #tpu.memory_space<hbm>> -> memref<128xi32, #tpu.memory_space<hbm>>
    %dma_wait3A_19 = arith.constant 0 : i32
    %dma_wait3A_20 = tpu.memref_slice %arg2[%dma_wait3A_19] : memref<819200xi32, #tpu.memory_space<hbm>> -> memref<128xi32, #tpu.memory_space<hbm>>
    tpu.wait_dma2 semaphore(%arg19 : memref<!tpu.dma_semaphore, #tpu.memory_space<semaphore_mem>>) src(%dma_wait3A_20 : memref<128xi32, #tpu.memory_space<hbm>>) dst(%arg7 : memref<128xi32, #tpu.memory_space<vmem>>)
    %dma_start3A_21 = arith.constant 0 : i32
    %dma_start3A_22 = arith.constant 0 : i32
    %dma_start3A_23 = tpu.memref_slice %arg3[%dma_start3A_21, %dma_start3A_22] : memref<100000x64xf32, #tpu.memory_space<hbm>> -> memref<100000x64xf32, #tpu.memory_space<hbm>>
    tpu.enqueue_indirect_dma source(%dma_start3A_23 : memref<100000x64xf32, #tpu.memory_space<hbm>>) target(%arg11 : memref<128x64xf32, #tpu.memory_space<vmem>>) offsets(%arg7 : memref<128xi32, #tpu.memory_space<vmem>>) semaphore(%arg23 : memref<!tpu.dma_semaphore, #tpu.memory_space<semaphore_mem>>)
    %dma_wait3A_24 = arith.constant 0 : i32
    %dma_wait3A_25 = tpu.memref_slice %arg2[%dma_wait3A_24] : memref<819200xi32, #tpu.memory_space<hbm>> -> memref<128xi32, #tpu.memory_space<hbm>>
    %dma_wait3A_26 = arith.constant 0 : i32
    %dma_wait3A_27 = tpu.memref_slice %arg2[%dma_wait3A_26] : memref<819200xi32, #tpu.memory_space<hbm>> -> memref<128xi32, #tpu.memory_space<hbm>>
    tpu.wait_dma2 semaphore(%arg20 : memref<!tpu.dma_semaphore, #tpu.memory_space<semaphore_mem>>) src(%dma_wait3A_27 : memref<128xi32, #tpu.memory_space<hbm>>) dst(%arg8 : memref<128xi32, #tpu.memory_space<vmem>>)
    %dma_start3A_28 = arith.constant 0 : i32
    %dma_start3A_29 = arith.constant 0 : i32
    %dma_start3A_30 = tpu.memref_slice %arg3[%dma_start3A_28, %dma_start3A_29] : memref<100000x64xf32, #tpu.memory_space<hbm>> -> memref<100000x64xf32, #tpu.memory_space<hbm>>
    tpu.enqueue_indirect_dma source(%dma_start3A_30 : memref<100000x64xf32, #tpu.memory_space<hbm>>) target(%arg12 : memref<128x64xf32, #tpu.memory_space<vmem>>) offsets(%arg8 : memref<128xi32, #tpu.memory_space<vmem>>) semaphore(%arg24 : memref<!tpu.dma_semaphore, #tpu.memory_space<semaphore_mem>>)
    %dma_wait3A_31 = arith.constant 0 : i32
    %dma_wait3A_32 = tpu.memref_slice %arg2[%dma_wait3A_31] : memref<819200xi32, #tpu.memory_space<hbm>> -> memref<128xi32, #tpu.memory_space<hbm>>
    %dma_wait3A_33 = arith.constant 0 : i32
    %dma_wait3A_34 = tpu.memref_slice %arg2[%dma_wait3A_33] : memref<819200xi32, #tpu.memory_space<hbm>> -> memref<128xi32, #tpu.memory_space<hbm>>
    tpu.wait_dma2 semaphore(%arg21 : memref<!tpu.dma_semaphore, #tpu.memory_space<semaphore_mem>>) src(%dma_wait3A_34 : memref<128xi32, #tpu.memory_space<hbm>>) dst(%arg9 : memref<128xi32, #tpu.memory_space<vmem>>)
    %dma_start3A_35 = arith.constant 0 : i32
    %dma_start3A_36 = arith.constant 0 : i32
    %dma_start3A_37 = tpu.memref_slice %arg3[%dma_start3A_35, %dma_start3A_36] : memref<100000x64xf32, #tpu.memory_space<hbm>> -> memref<100000x64xf32, #tpu.memory_space<hbm>>
    tpu.enqueue_indirect_dma source(%dma_start3A_37 : memref<100000x64xf32, #tpu.memory_space<hbm>>) target(%arg13 : memref<128x64xf32, #tpu.memory_space<vmem>>) offsets(%arg9 : memref<128xi32, #tpu.memory_space<vmem>>) semaphore(%arg25 : memref<!tpu.dma_semaphore, #tpu.memory_space<semaphore_mem>>)
    %iota3A = tpu.iota {dimensions = array<i32: 0>} : vector<16xi32>
    %scan3A = arith.constant 0 : i32
    %scan3A_38 = arith.constant 0 : i32
    %scan3A_39 = arith.constant 50 : i32
    %scan3A_40 = arith.addi %scan3A_38, %scan3A_39 : i32
    %scan3A_41 = arith.constant 1 : i32
    %scan3A_42 = scf.for %scan3A_72 = %scan3A_38 to %scan3A_40 step %scan3A_41 iter_args(%scan3A_73 = %scan3A) -> (i32)  : i32 {
      %mul3A_74 = arith.constant 4 : i32
      %mul3A_75 = arith.muli %scan3A_72, %mul3A_74 : i32
      %add3A_76 = arith.constant 0 : i32
      %add3A_77 = arith.addi %mul3A_75, %add3A_76 : i32
      %dma_wait3A_78 = arith.constant 0 : i32
      %dma_wait3A_79 = arith.constant 0 : i32
      %dma_wait3A_80 = tpu.memref_slice %arg3[%dma_wait3A_78, %dma_wait3A_79] : memref<100000x64xf32, #tpu.memory_space<hbm>> -> memref<100000x64xf32, #tpu.memory_space<hbm>>
      tpu.wait_indirect_dma semaphore(%arg23 : memref<!tpu.dma_semaphore, #tpu.memory_space<semaphore_mem>>) src(%dma_wait3A_80 : memref<100000x64xf32, #tpu.memory_space<hbm>>) dst(%arg11 : memref<128x64xf32, #tpu.memory_space<vmem>>)
      %add3A_81 = arith.constant 3 : i32
      %add3A_82 = arith.addi %add3A_77, %add3A_81 : i32
      %lt3A = arith.constant 200 : i32
      %lt3A_83 = arith.cmpi slt, %add3A_82, %lt3A : i32
      %convert_element_type3A = arith.extui %lt3A_83 : i1 to i32
      %cond3A = arith.constant 0 : i32
      %cond3A_84 = arith.cmpi ne, %convert_element_type3A, %cond3A : i32
      scf.if %cond3A_84 {
        %dma_wait3A_213 = arith.constant 0 : i32
        %dma_wait3A_214 = tpu.memref_slice %arg2[%dma_wait3A_213] : memref<819200xi32, #tpu.memory_space<hbm>> -> memref<128xi32, #tpu.memory_space<hbm>>
        %dma_wait3A_215 = arith.constant 0 : i32
        %dma_wait3A_216 = tpu.memref_slice %arg2[%dma_wait3A_215] : memref<819200xi32, #tpu.memory_space<hbm>> -> memref<128xi32, #tpu.memory_space<hbm>>
        tpu.wait_dma2 semaphore(%arg22 : memref<!tpu.dma_semaphore, #tpu.memory_space<semaphore_mem>>) src(%dma_wait3A_216 : memref<128xi32, #tpu.memory_space<hbm>>) dst(%arg10 : memref<128xi32, #tpu.memory_space<vmem>>)
        %dma_start3A_217 = arith.constant 0 : i32
        %dma_start3A_218 = arith.constant 0 : i32
        %dma_start3A_219 = tpu.memref_slice %arg3[%dma_start3A_217, %dma_start3A_218] : memref<100000x64xf32, #tpu.memory_space<hbm>> -> memref<100000x64xf32, #tpu.memory_space<hbm>>
        tpu.enqueue_indirect_dma source(%dma_start3A_219 : memref<100000x64xf32, #tpu.memory_space<hbm>>) target(%arg14 : memref<128x64xf32, #tpu.memory_space<vmem>>) offsets(%arg10 : memref<128xi32, #tpu.memory_space<vmem>>) semaphore(%arg26 : memref<!tpu.dma_semaphore, #tpu.memory_space<semaphore_mem>>)
      } else {
      }
      %add3A_85 = arith.constant 4 : i32
      %add3A_86 = arith.addi %add3A_77, %add3A_85 : i32
      %lt3A_87 = arith.constant 200 : i32
      %lt3A_88 = arith.cmpi slt, %add3A_86, %lt3A_87 : i32
      %convert_element_type3A_89 = arith.extui %lt3A_88 : i1 to i32
      %cond3A_90 = arith.constant 0 : i32
      %cond3A_91 = arith.cmpi ne, %convert_element_type3A_89, %cond3A_90 : i32
      scf.if %cond3A_91 {
        %add3A_213 = arith.constant 4 : i32
        %add3A_214 = arith.addi %add3A_77, %add3A_213 : i32
        %mul3A_215 = arith.constant 4096 : i32
        %mul3A_216 = arith.muli %add3A_214, %mul3A_215 : i32
        %add3A_217 = arith.addi %mul3A_216, %multiple_of3A : i32
        %dma_start3A_218 = tpu.memref_slice %arg2[%add3A_217] : memref<819200xi32, #tpu.memory_space<hbm>> -> memref<128xi32, #tpu.memory_space<hbm>>
        %dma_start3A_219 = tpu.memref_slice %arg2[%add3A_217] : memref<819200xi32, #tpu.memory_space<hbm>> -> memref<128xi32, #tpu.memory_space<hbm>>
        tpu.enqueue_dma source(%dma_start3A_219 : memref<128xi32, #tpu.memory_space<hbm>>) target(%arg7 : memref<128xi32, #tpu.memory_space<vmem>>) target_semaphore(%arg19 : memref<!tpu.dma_semaphore, #tpu.memory_space<semaphore_mem>>)
      } else {
      }
      %ge3A = arith.constant 4 : i32
      %ge3A_92 = arith.cmpi sge, %add3A_77, %ge3A : i32
      %convert_element_type3A_93 = arith.extui %ge3A_92 : i1 to i32
      %cond3A_94 = arith.constant 0 : i32
      %cond3A_95 = arith.cmpi ne, %convert_element_type3A_93, %cond3A_94 : i32
      scf.if %cond3A_95 {
        %dma_wait3A_213 = arith.constant 0 : i32
        %dma_wait3A_214 = arith.constant 0 : i32
        %dma_wait3A_215 = tpu.memref_slice %arg5[%dma_wait3A_213, %dma_wait3A_214, %multiple_of3A] : memref<200x64x4096xf32, #tpu.memory_space<hbm>> -> memref<1x64x128xf32, #tpu.memory_space<hbm>>
        %dma_wait3A_216 = tpu.memref_squeeze %dma_wait3A_215 : memref<1x64x128xf32, #tpu.memory_space<hbm>> -> memref<64x128xf32, #tpu.memory_space<hbm>>
        %dma_wait3A_217 = arith.constant 0 : i32
        %dma_wait3A_218 = tpu.memref_slice %arg5[%dma_wait3A_213, %dma_wait3A_217, %multiple_of3A] : memref<200x64x4096xf32, #tpu.memory_space<hbm>> -> memref<1x64x128xf32, #tpu.memory_space<hbm>>
        %dma_wait3A_219 = tpu.memref_squeeze %dma_wait3A_218 : memref<1x64x128xf32, #tpu.memory_space<hbm>> -> memref<64x128xf32, #tpu.memory_space<hbm>>
        tpu.wait_dma2 semaphore(%arg27 : memref<!tpu.dma_semaphore, #tpu.memory_space<semaphore_mem>>) src(%arg15 : memref<64x128xf32, #tpu.memory_space<vmem>>) dst(%dma_wait3A_219 : memref<64x128xf32, #tpu.memory_space<hbm>>)
      } else {
      }
      %broadcast_in_dim3A = vector.broadcast %add3A_77 : i32 to vector<16xi32>
      %parallel_loop3A = arith.constant 0 : i32
      %parallel_loop3A_96 = arith.constant 64 : i32
      %parallel_loop3A_97 = arith.constant 1 : i32
      scf.for %parallel_loop3A_213 = %parallel_loop3A to %parallel_loop3A_96 step %parallel_loop3A_97  : i32 {
        %parallel_loop3A_214 = arith.constant 4 : i32
        %parallel_loop3A_215 = arith.shrsi %parallel_loop3A_213, %parallel_loop3A_214 : i32
        %parallel_loop3A_216 = arith.constant 16 : i32
        %parallel_loop3A_217 = arith.muli %parallel_loop3A_215, %parallel_loop3A_216 : i32
        %parallel_loop3A_218 = arith.constant 15 : i32
        %parallel_loop3A_219 = arith.andi %parallel_loop3A_213, %parallel_loop3A_218 : i32
        %parallel_loop3A_220 = vector.broadcast %parallel_loop3A_219 : i32 to vector<16xi32>
        %parallel_loop3A_221 = arith.addi %iota3A, %parallel_loop3A_220 : vector<16xi32>
        %parallel_loop3A_222 = arith.constant 15 : i32
        %parallel_loop3A_223 = vector.broadcast %parallel_loop3A_222 : i32 to vector<16xi32>
        %parallel_loop3A_224 = arith.andi %parallel_loop3A_221, %parallel_loop3A_223 : vector<16xi32>
        %parallel_loop3A_225 = vector.broadcast %parallel_loop3A_217 : i32 to vector<16xi32>
        %parallel_loop3A_226 = arith.addi %parallel_loop3A_225, %parallel_loop3A_224 : vector<16xi32>
        %parallel_loop3A_227 = tpu.vector_load_idx %arg6[%broadcast_in_dim3A, %parallel_loop3A_226] : memref<200x64xf32, #tpu.memory_space<vmem>>[vector<16xi32>, vector<16xi32>], vector<16xf32>,
        %parallel_loop3A_228 = arith.constant 0 : i32
        %parallel_loop3A_229 = vector.broadcast %parallel_loop3A_228 : i32 to vector<16xi32>
        %parallel_loop3A_230 = arith.addi %iota3A, %parallel_loop3A_229 : vector<16xi32>
        %parallel_loop3A_231 = tpu.vector_load_idx %arg11[%parallel_loop3A_230, %parallel_loop3A_226] : memref<128x64xf32, #tpu.memory_space<vmem>>[vector<16xi32>, vector<16xi32>], vector<16xf32>,
        %parallel_loop3A_232 = arith.addf %parallel_loop3A_231, %parallel_loop3A_227 : vector<16xf32>
        tpu.vector_store_idx %arg15[%parallel_loop3A_226, %parallel_loop3A_230], %parallel_loop3A_232 : memref<64x128xf32, #tpu.memory_space<vmem>>[vector<16xi32>, vector<16xi32>], vector<16xf32>,
        %parallel_loop3A_233 = arith.constant 16 : i32
        %parallel_loop3A_234 = vector.broadcast %parallel_loop3A_233 : i32 to vector<16xi32>
        %parallel_loop3A_235 = arith.addi %iota3A, %parallel_loop3A_234 : vector<16xi32>
        %parallel_loop3A_236 = tpu.vector_load_idx %arg11[%parallel_loop3A_235, %parallel_loop3A_226] : memref<128x64xf32, #tpu.memory_space<vmem>>[vector<16xi32>, vector<16xi32>], vector<16xf32>,
        %parallel_loop3A_237 = arith.addf %parallel_loop3A_236, %parallel_loop3A_227 : vector<16xf32>
        tpu.vector_store_idx %arg15[%parallel_loop3A_226, %parallel_loop3A_235], %parallel_loop3A_237 : memref<64x128xf32, #tpu.memory_space<vmem>>[vector<16xi32>, vector<16xi32>], vector<16xf32>,
        %parallel_loop3A_238 = arith.constant 32 : i32
        %parallel_loop3A_239 = vector.broadcast %parallel_loop3A_238 : i32 to vector<16xi32>
        %parallel_loop3A_240 = arith.addi %iota3A, %parallel_loop3A_239 : vector<16xi32>
        %parallel_loop3A_241 = tpu.vector_load_idx %arg11[%parallel_loop3A_240, %parallel_loop3A_226] : memref<128x64xf32, #tpu.memory_space<vmem>>[vector<16xi32>, vector<16xi32>], vector<16xf32>,
        %parallel_loop3A_242 = arith.addf %parallel_loop3A_241, %parallel_loop3A_227 : vector<16xf32>
        tpu.vector_store_idx %arg15[%parallel_loop3A_226, %parallel_loop3A_240], %parallel_loop3A_242 : memref<64x128xf32, #tpu.memory_space<vmem>>[vector<16xi32>, vector<16xi32>], vector<16xf32>,
        %parallel_loop3A_243 = arith.constant 48 : i32
        %parallel_loop3A_244 = vector.broadcast %parallel_loop3A_243 : i32 to vector<16xi32>
        %parallel_loop3A_245 = arith.addi %iota3A, %parallel_loop3A_244 : vector<16xi32>
        %parallel_loop3A_246 = tpu.vector_load_idx %arg11[%parallel_loop3A_245, %parallel_loop3A_226] : memref<128x64xf32, #tpu.memory_space<vmem>>[vector<16xi32>, vector<16xi32>], vector<16xf32>,
        %parallel_loop3A_247 = arith.addf %parallel_loop3A_246, %parallel_loop3A_227 : vector<16xf32>
        tpu.vector_store_idx %arg15[%parallel_loop3A_226, %parallel_loop3A_245], %parallel_loop3A_247 : memref<64x128xf32, #tpu.memory_space<vmem>>[vector<16xi32>, vector<16xi32>], vector<16xf32>,
        %parallel_loop3A_248 = arith.constant 64 : i32
        %parallel_loop3A_249 = vector.broadcast %parallel_loop3A_248 : i32 to vector<16xi32>
        %parallel_loop3A_250 = arith.addi %iota3A, %parallel_loop3A_249 : vector<16xi32>
        %parallel_loop3A_251 = tpu.vector_load_idx %arg11[%parallel_loop3A_250, %parallel_loop3A_226] : memref<128x64xf32, #tpu.memory_space<vmem>>[vector<16xi32>, vector<16xi32>], vector<16xf32>,
        %parallel_loop3A_252 = arith.addf %parallel_loop3A_251, %parallel_loop3A_227 : vector<16xf32>
        tpu.vector_store_idx %arg15[%parallel_loop3A_226, %parallel_loop3A_250], %parallel_loop3A_252 : memref<64x128xf32, #tpu.memory_space<vmem>>[vector<16xi32>, vector<16xi32>], vector<16xf32>,
        %parallel_loop3A_253 = arith.constant 80 : i32
        %parallel_loop3A_254 = vector.broadcast %parallel_loop3A_253 : i32 to vector<16xi32>
        %parallel_loop3A_255 = arith.addi %iota3A, %parallel_loop3A_254 : vector<16xi32>
        %parallel_loop3A_256 = tpu.vector_load_idx %arg11[%parallel_loop3A_255, %parallel_loop3A_226] : memref<128x64xf32, #tpu.memory_space<vmem>>[vector<16xi32>, vector<16xi32>], vector<16xf32>,
        %parallel_loop3A_257 = arith.addf %parallel_loop3A_256, %parallel_loop3A_227 : vector<16xf32>
        tpu.vector_store_idx %arg15[%parallel_loop3A_226, %parallel_loop3A_255], %parallel_loop3A_257 : memref<64x128xf32, #tpu.memory_space<vmem>>[vector<16xi32>, vector<16xi32>], vector<16xf32>,
        %parallel_loop3A_258 = arith.constant 96 : i32
        %parallel_loop3A_259 = vector.broadcast %parallel_loop3A_258 : i32 to vector<16xi32>
        %parallel_loop3A_260 = arith.addi %iota3A, %parallel_loop3A_259 : vector<16xi32>
        %parallel_loop3A_261 = tpu.vector_load_idx %arg11[%parallel_loop3A_260, %parallel_loop3A_226] : memref<128x64xf32, #tpu.memory_space<vmem>>[vector<16xi32>, vector<16xi32>], vector<16xf32>,
        %parallel_loop3A_262 = arith.addf %parallel_loop3A_261, %parallel_loop3A_227 : vector<16xf32>
        tpu.vector_store_idx %arg15[%parallel_loop3A_226, %parallel_loop3A_260], %parallel_loop3A_262 : memref<64x128xf32, #tpu.memory_space<vmem>>[vector<16xi32>, vector<16xi32>], vector<16xf32>,
        %parallel_loop3A_263 = arith.constant 112 : i32
        %parallel_loop3A_264 = vector.broadcast %parallel_loop3A_263 : i32 to vector<16xi32>
        %parallel_loop3A_265 = arith.addi %iota3A, %parallel_loop3A_264 : vector<16xi32>
        %parallel_loop3A_266 = tpu.vector_load_idx %arg11[%parallel_loop3A_265, %parallel_loop3A_226] : memref<128x64xf32, #tpu.memory_space<vmem>>[vector<16xi32>, vector<16xi32>], vector<16xf32>,
        %parallel_loop3A_267 = arith.addf %parallel_loop3A_266, %parallel_loop3A_227 : vector<16xf32>
        tpu.vector_store_idx %arg15[%parallel_loop3A_226, %parallel_loop3A_265], %parallel_loop3A_267 : memref<64x128xf32, #tpu.memory_space<vmem>>[vector<16xi32>, vector<16xi32>], vector<16xf32>,
      } {sc.loop_unroll_factor = 2 : i64, sc.parallel_access}
      %dma_start3A_98 = arith.constant 0 : i32
      %dma_start3A_99 = tpu.memref_slice %arg5[%add3A_77, %dma_start3A_98, %multiple_of3A] : memref<200x64x4096xf32, #tpu.memory_space<hbm>> -> memref<1x64x128xf32, #tpu.memory_space<hbm>>
      %dma_start3A_100 = tpu.memref_squeeze %dma_start3A_99 : memref<1x64x128xf32, #tpu.memory_space<hbm>> -> memref<64x128xf32, #tpu.memory_space<hbm>>
      %dma_start3A_101 = arith.constant 0 : i32
      %dma_start3A_102 = tpu.memref_slice %arg5[%add3A_77, %dma_start3A_101, %multiple_of3A] : memref<200x64x4096xf32, #tpu.memory_space<hbm>> -> memref<1x64x128xf32, #tpu.memory_space<hbm>>
      %dma_start3A_103 = tpu.memref_squeeze %dma_start3A_102 : memref<1x64x128xf32, #tpu.memory_space<hbm>> -> memref<64x128xf32, #tpu.memory_space<hbm>>
      tpu.enqueue_dma source(%arg15 : memref<64x128xf32, #tpu.memory_space<vmem>>) target(%dma_start3A_103 : memref<64x128xf32, #tpu.memory_space<hbm>>) target_semaphore(%arg27 : memref<!tpu.dma_semaphore, #tpu.memory_space<semaphore_mem>>)
      %mul3A_104 = arith.constant 4 : i32
      %mul3A_105 = arith.muli %scan3A_72, %mul3A_104 : i32
      %add3A_106 = arith.constant 1 : i32
      %add3A_107 = arith.addi %mul3A_105, %add3A_106 : i32
      %dma_wait3A_108 = arith.constant 0 : i32
      %dma_wait3A_109 = arith.constant 0 : i32
      %dma_wait3A_110 = tpu.memref_slice %arg3[%dma_wait3A_108, %dma_wait3A_109] : memref<100000x64xf32, #tpu.memory_space<hbm>> -> memref<100000x64xf32, #tpu.memory_space<hbm>>
      tpu.wait_indirect_dma semaphore(%arg24 : memref<!tpu.dma_semaphore, #tpu.memory_space<semaphore_mem>>) src(%dma_wait3A_110 : memref<100000x64xf32, #tpu.memory_space<hbm>>) dst(%arg12 : memref<128x64xf32, #tpu.memory_space<vmem>>)
      %add3A_111 = arith.constant 3 : i32
      %add3A_112 = arith.addi %add3A_107, %add3A_111 : i32
      %lt3A_113 = arith.constant 200 : i32
      %lt3A_114 = arith.cmpi slt, %add3A_112, %lt3A_113 : i32
      %convert_element_type3A_115 = arith.extui %lt3A_114 : i1 to i32
      %cond3A_116 = arith.constant 0 : i32
      %cond3A_117 = arith.cmpi ne, %convert_element_type3A_115, %cond3A_116 : i32
      scf.if %cond3A_117 {
        %dma_wait3A_213 = arith.constant 0 : i32
        %dma_wait3A_214 = tpu.memref_slice %arg2[%dma_wait3A_213] : memref<819200xi32, #tpu.memory_space<hbm>> -> memref<128xi32, #tpu.memory_space<hbm>>
        %dma_wait3A_215 = arith.constant 0 : i32
        %dma_wait3A_216 = tpu.memref_slice %arg2[%dma_wait3A_215] : memref<819200xi32, #tpu.memory_space<hbm>> -> memref<128xi32, #tpu.memory_space<hbm>>
        tpu.wait_dma2 semaphore(%arg19 : memref<!tpu.dma_semaphore, #tpu.memory_space<semaphore_mem>>) src(%dma_wait3A_216 : memref<128xi32, #tpu.memory_space<hbm>>) dst(%arg7 : memref<128xi32, #tpu.memory_space<vmem>>)
        %dma_start3A_217 = arith.constant 0 : i32
        %dma_start3A_218 = arith.constant 0 : i32
        %dma_start3A_219 = tpu.memref_slice %arg3[%dma_start3A_217, %dma_start3A_218] : memref<100000x64xf32, #tpu.memory_space<hbm>> -> memref<100000x64xf32, #tpu.memory_space<hbm>>
        tpu.enqueue_indirect_dma source(%dma_start3A_219 : memref<100000x64xf32, #tpu.memory_space<hbm>>) target(%arg11 : memref<128x64xf32, #tpu.memory_space<vmem>>) offsets(%arg7 : memref<128xi32, #tpu.memory_space<vmem>>) semaphore(%arg23 : memref<!tpu.dma_semaphore, #tpu.memory_space<semaphore_mem>>)
      } else {
      }
      %add3A_118 = arith.constant 4 : i32
      %add3A_119 = arith.addi %add3A_107, %add3A_118 : i32
      %lt3A_120 = arith.constant 200 : i32
      %lt3A_121 = arith.cmpi slt, %add3A_119, %lt3A_120 : i32
      %convert_element_type3A_122 = arith.extui %lt3A_121 : i1 to i32
      %cond3A_123 = arith.constant 0 : i32
      %cond3A_124 = arith.cmpi ne, %convert_element_type3A_122, %cond3A_123 : i32
      scf.if %cond3A_124 {
        %add3A_213 = arith.constant 4 : i32
        %add3A_214 = arith.addi %add3A_107, %add3A_213 : i32
        %mul3A_215 = arith.constant 4096 : i32
        %mul3A_216 = arith.muli %add3A_214, %mul3A_215 : i32
        %add3A_217 = arith.addi %mul3A_216, %multiple_of3A : i32
        %dma_start3A_218 = tpu.memref_slice %arg2[%add3A_217] : memref<819200xi32, #tpu.memory_space<hbm>> -> memref<128xi32, #tpu.memory_space<hbm>>
        %dma_start3A_219 = tpu.memref_slice %arg2[%add3A_217] : memref<819200xi32, #tpu.memory_space<hbm>> -> memref<128xi32, #tpu.memory_space<hbm>>
        tpu.enqueue_dma source(%dma_start3A_219 : memref<128xi32, #tpu.memory_space<hbm>>) target(%arg8 : memref<128xi32, #tpu.memory_space<vmem>>) target_semaphore(%arg20 : memref<!tpu.dma_semaphore, #tpu.memory_space<semaphore_mem>>)
      } else {
      }
      %ge3A_125 = arith.constant 4 : i32
      %ge3A_126 = arith.cmpi sge, %add3A_107, %ge3A_125 : i32
      %convert_element_type3A_127 = arith.extui %ge3A_126 : i1 to i32
      %cond3A_128 = arith.constant 0 : i32
      %cond3A_129 = arith.cmpi ne, %convert_element_type3A_127, %cond3A_128 : i32
      scf.if %cond3A_129 {
        %dma_wait3A_213 = arith.constant 0 : i32
        %dma_wait3A_214 = arith.constant 0 : i32
        %dma_wait3A_215 = tpu.memref_slice %arg5[%dma_wait3A_213, %dma_wait3A_214, %multiple_of3A] : memref<200x64x4096xf32, #tpu.memory_space<hbm>> -> memref<1x64x128xf32, #tpu.memory_space<hbm>>
        %dma_wait3A_216 = tpu.memref_squeeze %dma_wait3A_215 : memref<1x64x128xf32, #tpu.memory_space<hbm>> -> memref<64x128xf32, #tpu.memory_space<hbm>>
        %dma_wait3A_217 = arith.constant 0 : i32
        %dma_wait3A_218 = tpu.memref_slice %arg5[%dma_wait3A_213, %dma_wait3A_217, %multiple_of3A] : memref<200x64x4096xf32, #tpu.memory_space<hbm>> -> memref<1x64x128xf32, #tpu.memory_space<hbm>>
        %dma_wait3A_219 = tpu.memref_squeeze %dma_wait3A_218 : memref<1x64x128xf32, #tpu.memory_space<hbm>> -> memref<64x128xf32, #tpu.memory_space<hbm>>
        tpu.wait_dma2 semaphore(%arg28 : memref<!tpu.dma_semaphore, #tpu.memory_space<semaphore_mem>>) src(%arg16 : memref<64x128xf32, #tpu.memory_space<vmem>>) dst(%dma_wait3A_219 : memref<64x128xf32, #tpu.memory_space<hbm>>)
      } else {
      }
      %broadcast_in_dim3A_130 = vector.broadcast %add3A_107 : i32 to vector<16xi32>
      %parallel_loop3A_131 = arith.constant 0 : i32
      %parallel_loop3A_132 = arith.constant 64 : i32
      %parallel_loop3A_133 = arith.constant 1 : i32
      scf.for %parallel_loop3A_213 = %parallel_loop3A_131 to %parallel_loop3A_132 step %parallel_loop3A_133  : i32 {
        %parallel_loop3A_214 = arith.constant 4 : i32
        %parallel_loop3A_215 = arith.shrsi %parallel_loop3A_213, %parallel_loop3A_214 : i32
        %parallel_loop3A_216 = arith.constant 16 : i32
        %parallel_loop3A_217 = arith.muli %parallel_loop3A_215, %parallel_loop3A_216 : i32
        %parallel_loop3A_218 = arith.constant 15 : i32
        %parallel_loop3A_219 = arith.andi %parallel_loop3A_213, %parallel_loop3A_218 : i32
        %parallel_loop3A_220 = vector.broadcast %parallel_loop3A_219 : i32 to vector<16xi32>
        %parallel_loop3A_221 = arith.addi %iota3A, %parallel_loop3A_220 : vector<16xi32>
        %parallel_loop3A_222 = arith.constant 15 : i32
        %parallel_loop3A_223 = vector.broadcast %parallel_loop3A_222 : i32 to vector<16xi32>
        %parallel_loop3A_224 = arith.andi %parallel_loop3A_221, %parallel_loop3A_223 : vector<16xi32>
        %parallel_loop3A_225 = vector.broadcast %parallel_loop3A_217 : i32 to vector<16xi32>
        %parallel_loop3A_226 = arith.addi %parallel_loop3A_225, %parallel_loop3A_224 : vector<16xi32>
        %parallel_loop3A_227 = tpu.vector_load_idx %arg6[%broadcast_in_dim3A_130, %parallel_loop3A_226] : memref<200x64xf32, #tpu.memory_space<vmem>>[vector<16xi32>, vector<16xi32>], vector<16xf32>,
        %parallel_loop3A_228 = arith.constant 0 : i32
        %parallel_loop3A_229 = vector.broadcast %parallel_loop3A_228 : i32 to vector<16xi32>
        %parallel_loop3A_230 = arith.addi %iota3A, %parallel_loop3A_229 : vector<16xi32>
        %parallel_loop3A_231 = tpu.vector_load_idx %arg12[%parallel_loop3A_230, %parallel_loop3A_226] : memref<128x64xf32, #tpu.memory_space<vmem>>[vector<16xi32>, vector<16xi32>], vector<16xf32>,
        %parallel_loop3A_232 = arith.addf %parallel_loop3A_231, %parallel_loop3A_227 : vector<16xf32>
        tpu.vector_store_idx %arg16[%parallel_loop3A_226, %parallel_loop3A_230], %parallel_loop3A_232 : memref<64x128xf32, #tpu.memory_space<vmem>>[vector<16xi32>, vector<16xi32>], vector<16xf32>,
        %parallel_loop3A_233 = arith.constant 16 : i32
        %parallel_loop3A_234 = vector.broadcast %parallel_loop3A_233 : i32 to vector<16xi32>
        %parallel_loop3A_235 = arith.addi %iota3A, %parallel_loop3A_234 : vector<16xi32>
        %parallel_loop3A_236 = tpu.vector_load_idx %arg12[%parallel_loop3A_235, %parallel_loop3A_226] : memref<128x64xf32, #tpu.memory_space<vmem>>[vector<16xi32>, vector<16xi32>], vector<16xf32>,
        %parallel_loop3A_237 = arith.addf %parallel_loop3A_236, %parallel_loop3A_227 : vector<16xf32>
        tpu.vector_store_idx %arg16[%parallel_loop3A_226, %parallel_loop3A_235], %parallel_loop3A_237 : memref<64x128xf32, #tpu.memory_space<vmem>>[vector<16xi32>, vector<16xi32>], vector<16xf32>,
        %parallel_loop3A_238 = arith.constant 32 : i32
        %parallel_loop3A_239 = vector.broadcast %parallel_loop3A_238 : i32 to vector<16xi32>
        %parallel_loop3A_240 = arith.addi %iota3A, %parallel_loop3A_239 : vector<16xi32>
        %parallel_loop3A_241 = tpu.vector_load_idx %arg12[%parallel_loop3A_240, %parallel_loop3A_226] : memref<128x64xf32, #tpu.memory_space<vmem>>[vector<16xi32>, vector<16xi32>], vector<16xf32>,
        %parallel_loop3A_242 = arith.addf %parallel_loop3A_241, %parallel_loop3A_227 : vector<16xf32>
        tpu.vector_store_idx %arg16[%parallel_loop3A_226, %parallel_loop3A_240], %parallel_loop3A_242 : memref<64x128xf32, #tpu.memory_space<vmem>>[vector<16xi32>, vector<16xi32>], vector<16xf32>,
        %parallel_loop3A_243 = arith.constant 48 : i32
        %parallel_loop3A_244 = vector.broadcast %parallel_loop3A_243 : i32 to vector<16xi32>
        %parallel_loop3A_245 = arith.addi %iota3A, %parallel_loop3A_244 : vector<16xi32>
        %parallel_loop3A_246 = tpu.vector_load_idx %arg12[%parallel_loop3A_245, %parallel_loop3A_226] : memref<128x64xf32, #tpu.memory_space<vmem>>[vector<16xi32>, vector<16xi32>], vector<16xf32>,
        %parallel_loop3A_247 = arith.addf %parallel_loop3A_246, %parallel_loop3A_227 : vector<16xf32>
        tpu.vector_store_idx %arg16[%parallel_loop3A_226, %parallel_loop3A_245], %parallel_loop3A_247 : memref<64x128xf32, #tpu.memory_space<vmem>>[vector<16xi32>, vector<16xi32>], vector<16xf32>,
        %parallel_loop3A_248 = arith.constant 64 : i32
        %parallel_loop3A_249 = vector.broadcast %parallel_loop3A_248 : i32 to vector<16xi32>
        %parallel_loop3A_250 = arith.addi %iota3A, %parallel_loop3A_249 : vector<16xi32>
        %parallel_loop3A_251 = tpu.vector_load_idx %arg12[%parallel_loop3A_250, %parallel_loop3A_226] : memref<128x64xf32, #tpu.memory_space<vmem>>[vector<16xi32>, vector<16xi32>], vector<16xf32>,
        %parallel_loop3A_252 = arith.addf %parallel_loop3A_251, %parallel_loop3A_227 : vector<16xf32>
        tpu.vector_store_idx %arg16[%parallel_loop3A_226, %parallel_loop3A_250], %parallel_loop3A_252 : memref<64x128xf32, #tpu.memory_space<vmem>>[vector<16xi32>, vector<16xi32>], vector<16xf32>,
        %parallel_loop3A_253 = arith.constant 80 : i32
        %parallel_loop3A_254 = vector.broadcast %parallel_loop3A_253 : i32 to vector<16xi32>
        %parallel_loop3A_255 = arith.addi %iota3A, %parallel_loop3A_254 : vector<16xi32>
        %parallel_loop3A_256 = tpu.vector_load_idx %arg12[%parallel_loop3A_255, %parallel_loop3A_226] : memref<128x64xf32, #tpu.memory_space<vmem>>[vector<16xi32>, vector<16xi32>], vector<16xf32>,
        %parallel_loop3A_257 = arith.addf %parallel_loop3A_256, %parallel_loop3A_227 : vector<16xf32>
        tpu.vector_store_idx %arg16[%parallel_loop3A_226, %parallel_loop3A_255], %parallel_loop3A_257 : memref<64x128xf32, #tpu.memory_space<vmem>>[vector<16xi32>, vector<16xi32>], vector<16xf32>,
        %parallel_loop3A_258 = arith.constant 96 : i32
        %parallel_loop3A_259 = vector.broadcast %parallel_loop3A_258 : i32 to vector<16xi32>
        %parallel_loop3A_260 = arith.addi %iota3A, %parallel_loop3A_259 : vector<16xi32>
        %parallel_loop3A_261 = tpu.vector_load_idx %arg12[%parallel_loop3A_260, %parallel_loop3A_226] : memref<128x64xf32, #tpu.memory_space<vmem>>[vector<16xi32>, vector<16xi32>], vector<16xf32>,
        %parallel_loop3A_262 = arith.addf %parallel_loop3A_261, %parallel_loop3A_227 : vector<16xf32>
        tpu.vector_store_idx %arg16[%parallel_loop3A_226, %parallel_loop3A_260], %parallel_loop3A_262 : memref<64x128xf32, #tpu.memory_space<vmem>>[vector<16xi32>, vector<16xi32>], vector<16xf32>,
        %parallel_loop3A_263 = arith.constant 112 : i32
        %parallel_loop3A_264 = vector.broadcast %parallel_loop3A_263 : i32 to vector<16xi32>
        %parallel_loop3A_265 = arith.addi %iota3A, %parallel_loop3A_264 : vector<16xi32>
        %parallel_loop3A_266 = tpu.vector_load_idx %arg12[%parallel_loop3A_265, %parallel_loop3A_226] : memref<128x64xf32, #tpu.memory_space<vmem>>[vector<16xi32>, vector<16xi32>], vector<16xf32>,
        %parallel_loop3A_267 = arith.addf %parallel_loop3A_266, %parallel_loop3A_227 : vector<16xf32>
        tpu.vector_store_idx %arg16[%parallel_loop3A_226, %parallel_loop3A_265], %parallel_loop3A_267 : memref<64x128xf32, #tpu.memory_space<vmem>>[vector<16xi32>, vector<16xi32>], vector<16xf32>,
      } {sc.loop_unroll_factor = 2 : i64, sc.parallel_access}
      %dma_start3A_134 = arith.constant 0 : i32
      %dma_start3A_135 = tpu.memref_slice %arg5[%add3A_107, %dma_start3A_134, %multiple_of3A] : memref<200x64x4096xf32, #tpu.memory_space<hbm>> -> memref<1x64x128xf32, #tpu.memory_space<hbm>>
      %dma_start3A_136 = tpu.memref_squeeze %dma_start3A_135 : memref<1x64x128xf32, #tpu.memory_space<hbm>> -> memref<64x128xf32, #tpu.memory_space<hbm>>
      %dma_start3A_137 = arith.constant 0 : i32
      %dma_start3A_138 = tpu.memref_slice %arg5[%add3A_107, %dma_start3A_137, %multiple_of3A] : memref<200x64x4096xf32, #tpu.memory_space<hbm>> -> memref<1x64x128xf32, #tpu.memory_space<hbm>>
      %dma_start3A_139 = tpu.memref_squeeze %dma_start3A_138 : memref<1x64x128xf32, #tpu.memory_space<hbm>> -> memref<64x128xf32, #tpu.memory_space<hbm>>
      tpu.enqueue_dma source(%arg16 : memref<64x128xf32, #tpu.memory_space<vmem>>) target(%dma_start3A_139 : memref<64x128xf32, #tpu.memory_space<hbm>>) target_semaphore(%arg28 : memref<!tpu.dma_semaphore, #tpu.memory_space<semaphore_mem>>)
      %mul3A_140 = arith.constant 4 : i32
      %mul3A_141 = arith.muli %scan3A_72, %mul3A_140 : i32
      %add3A_142 = arith.constant 2 : i32
      %add3A_143 = arith.addi %mul3A_141, %add3A_142 : i32
      %dma_wait3A_144 = arith.constant 0 : i32
      %dma_wait3A_145 = arith.constant 0 : i32
      %dma_wait3A_146 = tpu.memref_slice %arg3[%dma_wait3A_144, %dma_wait3A_145] : memref<100000x64xf32, #tpu.memory_space<hbm>> -> memref<100000x64xf32, #tpu.memory_space<hbm>>
      tpu.wait_indirect_dma semaphore(%arg25 : memref<!tpu.dma_semaphore, #tpu.memory_space<semaphore_mem>>) src(%dma_wait3A_146 : memref<100000x64xf32, #tpu.memory_space<hbm>>) dst(%arg13 : memref<128x64xf32, #tpu.memory_space<vmem>>)
      %add3A_147 = arith.constant 3 : i32
      %add3A_148 = arith.addi %add3A_143, %add3A_147 : i32
      %lt3A_149 = arith.constant 200 : i32
      %lt3A_150 = arith.cmpi slt, %add3A_148, %lt3A_149 : i32
      %convert_element_type3A_151 = arith.extui %lt3A_150 : i1 to i32
      %cond3A_152 = arith.constant 0 : i32
      %cond3A_153 = arith.cmpi ne, %convert_element_type3A_151, %cond3A_152 : i32
      scf.if %cond3A_153 {
        %dma_wait3A_213 = arith.constant 0 : i32
        %dma_wait3A_214 = tpu.memref_slice %arg2[%dma_wait3A_213] : memref<819200xi32, #tpu.memory_space<hbm>> -> memref<128xi32, #tpu.memory_space<hbm>>
        %dma_wait3A_215 = arith.constant 0 : i32
        %dma_wait3A_216 = tpu.memref_slice %arg2[%dma_wait3A_215] : memref<819200xi32, #tpu.memory_space<hbm>> -> memref<128xi32, #tpu.memory_space<hbm>>
        tpu.wait_dma2 semaphore(%arg20 : memref<!tpu.dma_semaphore, #tpu.memory_space<semaphore_mem>>) src(%dma_wait3A_216 : memref<128xi32, #tpu.memory_space<hbm>>) dst(%arg8 : memref<128xi32, #tpu.memory_space<vmem>>)
        %dma_start3A_217 = arith.constant 0 : i32
        %dma_start3A_218 = arith.constant 0 : i32
        %dma_start3A_219 = tpu.memref_slice %arg3[%dma_start3A_217, %dma_start3A_218] : memref<100000x64xf32, #tpu.memory_space<hbm>> -> memref<100000x64xf32, #tpu.memory_space<hbm>>
        tpu.enqueue_indirect_dma source(%dma_start3A_219 : memref<100000x64xf32, #tpu.memory_space<hbm>>) target(%arg12 : memref<128x64xf32, #tpu.memory_space<vmem>>) offsets(%arg8 : memref<128xi32, #tpu.memory_space<vmem>>) semaphore(%arg24 : memref<!tpu.dma_semaphore, #tpu.memory_space<semaphore_mem>>)
      } else {
      }
      %add3A_154 = arith.constant 4 : i32
      %add3A_155 = arith.addi %add3A_143, %add3A_154 : i32
      %lt3A_156 = arith.constant 200 : i32
      %lt3A_157 = arith.cmpi slt, %add3A_155, %lt3A_156 : i32
      %convert_element_type3A_158 = arith.extui %lt3A_157 : i1 to i32
      %cond3A_159 = arith.constant 0 : i32
      %cond3A_160 = arith.cmpi ne, %convert_element_type3A_158, %cond3A_159 : i32
      scf.if %cond3A_160 {
        %add3A_213 = arith.constant 4 : i32
        %add3A_214 = arith.addi %add3A_143, %add3A_213 : i32
        %mul3A_215 = arith.constant 4096 : i32
        %mul3A_216 = arith.muli %add3A_214, %mul3A_215 : i32
        %add3A_217 = arith.addi %mul3A_216, %multiple_of3A : i32
        %dma_start3A_218 = tpu.memref_slice %arg2[%add3A_217] : memref<819200xi32, #tpu.memory_space<hbm>> -> memref<128xi32, #tpu.memory_space<hbm>>
        %dma_start3A_219 = tpu.memref_slice %arg2[%add3A_217] : memref<819200xi32, #tpu.memory_space<hbm>> -> memref<128xi32, #tpu.memory_space<hbm>>
        tpu.enqueue_dma source(%dma_start3A_219 : memref<128xi32, #tpu.memory_space<hbm>>) target(%arg9 : memref<128xi32, #tpu.memory_space<vmem>>) target_semaphore(%arg21 : memref<!tpu.dma_semaphore, #tpu.memory_space<semaphore_mem>>)
      } else {
      }
      %ge3A_161 = arith.constant 4 : i32
      %ge3A_162 = arith.cmpi sge, %add3A_143, %ge3A_161 : i32
      %convert_element_type3A_163 = arith.extui %ge3A_162 : i1 to i32
      %cond3A_164 = arith.constant 0 : i32
      %cond3A_165 = arith.cmpi ne, %convert_element_type3A_163, %cond3A_164 : i32
      scf.if %cond3A_165 {
        %dma_wait3A_213 = arith.constant 0 : i32
        %dma_wait3A_214 = arith.constant 0 : i32
        %dma_wait3A_215 = tpu.memref_slice %arg5[%dma_wait3A_213, %dma_wait3A_214, %multiple_of3A] : memref<200x64x4096xf32, #tpu.memory_space<hbm>> -> memref<1x64x128xf32, #tpu.memory_space<hbm>>
        %dma_wait3A_216 = tpu.memref_squeeze %dma_wait3A_215 : memref<1x64x128xf32, #tpu.memory_space<hbm>> -> memref<64x128xf32, #tpu.memory_space<hbm>>
        %dma_wait3A_217 = arith.constant 0 : i32
        %dma_wait3A_218 = tpu.memref_slice %arg5[%dma_wait3A_213, %dma_wait3A_217, %multiple_of3A] : memref<200x64x4096xf32, #tpu.memory_space<hbm>> -> memref<1x64x128xf32, #tpu.memory_space<hbm>>
        %dma_wait3A_219 = tpu.memref_squeeze %dma_wait3A_218 : memref<1x64x128xf32, #tpu.memory_space<hbm>> -> memref<64x128xf32, #tpu.memory_space<hbm>>
        tpu.wait_dma2 semaphore(%arg29 : memref<!tpu.dma_semaphore, #tpu.memory_space<semaphore_mem>>) src(%arg17 : memref<64x128xf32, #tpu.memory_space<vmem>>) dst(%dma_wait3A_219 : memref<64x128xf32, #tpu.memory_space<hbm>>)
      } else {
      }
      %broadcast_in_dim3A_166 = vector.broadcast %add3A_143 : i32 to vector<16xi32>
      %parallel_loop3A_167 = arith.constant 0 : i32
      %parallel_loop3A_168 = arith.constant 64 : i32
      %parallel_loop3A_169 = arith.constant 1 : i32
      scf.for %parallel_loop3A_213 = %parallel_loop3A_167 to %parallel_loop3A_168 step %parallel_loop3A_169  : i32 {
        %parallel_loop3A_214 = arith.constant 4 : i32
        %parallel_loop3A_215 = arith.shrsi %parallel_loop3A_213, %parallel_loop3A_214 : i32
        %parallel_loop3A_216 = arith.constant 16 : i32
        %parallel_loop3A_217 = arith.muli %parallel_loop3A_215, %parallel_loop3A_216 : i32
        %parallel_loop3A_218 = arith.constant 15 : i32
        %parallel_loop3A_219 = arith.andi %parallel_loop3A_213, %parallel_loop3A_218 : i32
        %parallel_loop3A_220 = vector.broadcast %parallel_loop3A_219 : i32 to vector<16xi32>
        %parallel_loop3A_221 = arith.addi %iota3A, %parallel_loop3A_220 : vector<16xi32>
        %parallel_loop3A_222 = arith.constant 15 : i32
        %parallel_loop3A_223 = vector.broadcast %parallel_loop3A_222 : i32 to vector<16xi32>
        %parallel_loop3A_224 = arith.andi %parallel_loop3A_221, %parallel_loop3A_223 : vector<16xi32>
        %parallel_loop3A_225 = vector.broadcast %parallel_loop3A_217 : i32 to vector<16xi32>
        %parallel_loop3A_226 = arith.addi %parallel_loop3A_225, %parallel_loop3A_224 : vector<16xi32>
        %parallel_loop3A_227 = tpu.vector_load_idx %arg6[%broadcast_in_dim3A_166, %parallel_loop3A_226] : memref<200x64xf32, #tpu.memory_space<vmem>>[vector<16xi32>, vector<16xi32>], vector<16xf32>,
        %parallel_loop3A_228 = arith.constant 0 : i32
        %parallel_loop3A_229 = vector.broadcast %parallel_loop3A_228 : i32 to vector<16xi32>
        %parallel_loop3A_230 = arith.addi %iota3A, %parallel_loop3A_229 : vector<16xi32>
        %parallel_loop3A_231 = tpu.vector_load_idx %arg13[%parallel_loop3A_230, %parallel_loop3A_226] : memref<128x64xf32, #tpu.memory_space<vmem>>[vector<16xi32>, vector<16xi32>], vector<16xf32>,
        %parallel_loop3A_232 = arith.addf %parallel_loop3A_231, %parallel_loop3A_227 : vector<16xf32>
        tpu.vector_store_idx %arg17[%parallel_loop3A_226, %parallel_loop3A_230], %parallel_loop3A_232 : memref<64x128xf32, #tpu.memory_space<vmem>>[vector<16xi32>, vector<16xi32>], vector<16xf32>,
        %parallel_loop3A_233 = arith.constant 16 : i32
        %parallel_loop3A_234 = vector.broadcast %parallel_loop3A_233 : i32 to vector<16xi32>
        %parallel_loop3A_235 = arith.addi %iota3A, %parallel_loop3A_234 : vector<16xi32>
        %parallel_loop3A_236 = tpu.vector_load_idx %arg13[%parallel_loop3A_235, %parallel_loop3A_226] : memref<128x64xf32, #tpu.memory_space<vmem>>[vector<16xi32>, vector<16xi32>], vector<16xf32>,
        %parallel_loop3A_237 = arith.addf %parallel_loop3A_236, %parallel_loop3A_227 : vector<16xf32>
        tpu.vector_store_idx %arg17[%parallel_loop3A_226, %parallel_loop3A_235], %parallel_loop3A_237 : memref<64x128xf32, #tpu.memory_space<vmem>>[vector<16xi32>, vector<16xi32>], vector<16xf32>,
        %parallel_loop3A_238 = arith.constant 32 : i32
        %parallel_loop3A_239 = vector.broadcast %parallel_loop3A_238 : i32 to vector<16xi32>
        %parallel_loop3A_240 = arith.addi %iota3A, %parallel_loop3A_239 : vector<16xi32>
        %parallel_loop3A_241 = tpu.vector_load_idx %arg13[%parallel_loop3A_240, %parallel_loop3A_226] : memref<128x64xf32, #tpu.memory_space<vmem>>[vector<16xi32>, vector<16xi32>], vector<16xf32>,
        %parallel_loop3A_242 = arith.addf %parallel_loop3A_241, %parallel_loop3A_227 : vector<16xf32>
        tpu.vector_store_idx %arg17[%parallel_loop3A_226, %parallel_loop3A_240], %parallel_loop3A_242 : memref<64x128xf32, #tpu.memory_space<vmem>>[vector<16xi32>, vector<16xi32>], vector<16xf32>,
        %parallel_loop3A_243 = arith.constant 48 : i32
        %parallel_loop3A_244 = vector.broadcast %parallel_loop3A_243 : i32 to vector<16xi32>
        %parallel_loop3A_245 = arith.addi %iota3A, %parallel_loop3A_244 : vector<16xi32>
        %parallel_loop3A_246 = tpu.vector_load_idx %arg13[%parallel_loop3A_245, %parallel_loop3A_226] : memref<128x64xf32, #tpu.memory_space<vmem>>[vector<16xi32>, vector<16xi32>], vector<16xf32>,
        %parallel_loop3A_247 = arith.addf %parallel_loop3A_246, %parallel_loop3A_227 : vector<16xf32>
        tpu.vector_store_idx %arg17[%parallel_loop3A_226, %parallel_loop3A_245], %parallel_loop3A_247 : memref<64x128xf32, #tpu.memory_space<vmem>>[vector<16xi32>, vector<16xi32>], vector<16xf32>,
        %parallel_loop3A_248 = arith.constant 64 : i32
        %parallel_loop3A_249 = vector.broadcast %parallel_loop3A_248 : i32 to vector<16xi32>
        %parallel_loop3A_250 = arith.addi %iota3A, %parallel_loop3A_249 : vector<16xi32>
        %parallel_loop3A_251 = tpu.vector_load_idx %arg13[%parallel_loop3A_250, %parallel_loop3A_226] : memref<128x64xf32, #tpu.memory_space<vmem>>[vector<16xi32>, vector<16xi32>], vector<16xf32>,
        %parallel_loop3A_252 = arith.addf %parallel_loop3A_251, %parallel_loop3A_227 : vector<16xf32>
        tpu.vector_store_idx %arg17[%parallel_loop3A_226, %parallel_loop3A_250], %parallel_loop3A_252 : memref<64x128xf32, #tpu.memory_space<vmem>>[vector<16xi32>, vector<16xi32>], vector<16xf32>,
        %parallel_loop3A_253 = arith.constant 80 : i32
        %parallel_loop3A_254 = vector.broadcast %parallel_loop3A_253 : i32 to vector<16xi32>
        %parallel_loop3A_255 = arith.addi %iota3A, %parallel_loop3A_254 : vector<16xi32>
        %parallel_loop3A_256 = tpu.vector_load_idx %arg13[%parallel_loop3A_255, %parallel_loop3A_226] : memref<128x64xf32, #tpu.memory_space<vmem>>[vector<16xi32>, vector<16xi32>], vector<16xf32>,
        %parallel_loop3A_257 = arith.addf %parallel_loop3A_256, %parallel_loop3A_227 : vector<16xf32>
        tpu.vector_store_idx %arg17[%parallel_loop3A_226, %parallel_loop3A_255], %parallel_loop3A_257 : memref<64x128xf32, #tpu.memory_space<vmem>>[vector<16xi32>, vector<16xi32>], vector<16xf32>,
        %parallel_loop3A_258 = arith.constant 96 : i32
        %parallel_loop3A_259 = vector.broadcast %parallel_loop3A_258 : i32 to vector<16xi32>
        %parallel_loop3A_260 = arith.addi %iota3A, %parallel_loop3A_259 : vector<16xi32>
        %parallel_loop3A_261 = tpu.vector_load_idx %arg13[%parallel_loop3A_260, %parallel_loop3A_226] : memref<128x64xf32, #tpu.memory_space<vmem>>[vector<16xi32>, vector<16xi32>], vector<16xf32>,
        %parallel_loop3A_262 = arith.addf %parallel_loop3A_261, %parallel_loop3A_227 : vector<16xf32>
        tpu.vector_store_idx %arg17[%parallel_loop3A_226, %parallel_loop3A_260], %parallel_loop3A_262 : memref<64x128xf32, #tpu.memory_space<vmem>>[vector<16xi32>, vector<16xi32>], vector<16xf32>,
        %parallel_loop3A_263 = arith.constant 112 : i32
        %parallel_loop3A_264 = vector.broadcast %parallel_loop3A_263 : i32 to vector<16xi32>
        %parallel_loop3A_265 = arith.addi %iota3A, %parallel_loop3A_264 : vector<16xi32>
        %parallel_loop3A_266 = tpu.vector_load_idx %arg13[%parallel_loop3A_265, %parallel_loop3A_226] : memref<128x64xf32, #tpu.memory_space<vmem>>[vector<16xi32>, vector<16xi32>], vector<16xf32>,
        %parallel_loop3A_267 = arith.addf %parallel_loop3A_266, %parallel_loop3A_227 : vector<16xf32>
        tpu.vector_store_idx %arg17[%parallel_loop3A_226, %parallel_loop3A_265], %parallel_loop3A_267 : memref<64x128xf32, #tpu.memory_space<vmem>>[vector<16xi32>, vector<16xi32>], vector<16xf32>,
      } {sc.loop_unroll_factor = 2 : i64, sc.parallel_access}
      %dma_start3A_170 = arith.constant 0 : i32
      %dma_start3A_171 = tpu.memref_slice %arg5[%add3A_143, %dma_start3A_170, %multiple_of3A] : memref<200x64x4096xf32, #tpu.memory_space<hbm>> -> memref<1x64x128xf32, #tpu.memory_space<hbm>>
      %dma_start3A_172 = tpu.memref_squeeze %dma_start3A_171 : memref<1x64x128xf32, #tpu.memory_space<hbm>> -> memref<64x128xf32, #tpu.memory_space<hbm>>
      %dma_start3A_173 = arith.constant 0 : i32
      %dma_start3A_174 = tpu.memref_slice %arg5[%add3A_143, %dma_start3A_173, %multiple_of3A] : memref<200x64x4096xf32, #tpu.memory_space<hbm>> -> memref<1x64x128xf32, #tpu.memory_space<hbm>>
      %dma_start3A_175 = tpu.memref_squeeze %dma_start3A_174 : memref<1x64x128xf32, #tpu.memory_space<hbm>> -> memref<64x128xf32, #tpu.memory_space<hbm>>
      tpu.enqueue_dma source(%arg17 : memref<64x128xf32, #tpu.memory_space<vmem>>) target(%dma_start3A_175 : memref<64x128xf32, #tpu.memory_space<hbm>>) target_semaphore(%arg29 : memref<!tpu.dma_semaphore, #tpu.memory_space<semaphore_mem>>)
      %mul3A_176 = arith.constant 4 : i32
      %mul3A_177 = arith.muli %scan3A_72, %mul3A_176 : i32
      %add3A_178 = arith.constant 3 : i32
      %add3A_179 = arith.addi %mul3A_177, %add3A_178 : i32
      %dma_wait3A_180 = arith.constant 0 : i32
      %dma_wait3A_181 = arith.constant 0 : i32
      %dma_wait3A_182 = tpu.memref_slice %arg3[%dma_wait3A_180, %dma_wait3A_181] : memref<100000x64xf32, #tpu.memory_space<hbm>> -> memref<100000x64xf32, #tpu.memory_space<hbm>>
      tpu.wait_indirect_dma semaphore(%arg26 : memref<!tpu.dma_semaphore, #tpu.memory_space<semaphore_mem>>) src(%dma_wait3A_182 : memref<100000x64xf32, #tpu.memory_space<hbm>>) dst(%arg14 : memref<128x64xf32, #tpu.memory_space<vmem>>)
      %add3A_183 = arith.constant 3 : i32
      %add3A_184 = arith.addi %add3A_179, %add3A_183 : i32
      %lt3A_185 = arith.constant 200 : i32
      %lt3A_186 = arith.cmpi slt, %add3A_184, %lt3A_185 : i32
      %convert_element_type3A_187 = arith.extui %lt3A_186 : i1 to i32
      %cond3A_188 = arith.constant 0 : i32
      %cond3A_189 = arith.cmpi ne, %convert_element_type3A_187, %cond3A_188 : i32
      scf.if %cond3A_189 {
        %dma_wait3A_213 = arith.constant 0 : i32
        %dma_wait3A_214 = tpu.memref_slice %arg2[%dma_wait3A_213] : memref<819200xi32, #tpu.memory_space<hbm>> -> memref<128xi32, #tpu.memory_space<hbm>>
        %dma_wait3A_215 = arith.constant 0 : i32
        %dma_wait3A_216 = tpu.memref_slice %arg2[%dma_wait3A_215] : memref<819200xi32, #tpu.memory_space<hbm>> -> memref<128xi32, #tpu.memory_space<hbm>>
        tpu.wait_dma2 semaphore(%arg21 : memref<!tpu.dma_semaphore, #tpu.memory_space<semaphore_mem>>) src(%dma_wait3A_216 : memref<128xi32, #tpu.memory_space<hbm>>) dst(%arg9 : memref<128xi32, #tpu.memory_space<vmem>>)
        %dma_start3A_217 = arith.constant 0 : i32
        %dma_start3A_218 = arith.constant 0 : i32
        %dma_start3A_219 = tpu.memref_slice %arg3[%dma_start3A_217, %dma_start3A_218] : memref<100000x64xf32, #tpu.memory_space<hbm>> -> memref<100000x64xf32, #tpu.memory_space<hbm>>
        tpu.enqueue_indirect_dma source(%dma_start3A_219 : memref<100000x64xf32, #tpu.memory_space<hbm>>) target(%arg13 : memref<128x64xf32, #tpu.memory_space<vmem>>) offsets(%arg9 : memref<128xi32, #tpu.memory_space<vmem>>) semaphore(%arg25 : memref<!tpu.dma_semaphore, #tpu.memory_space<semaphore_mem>>)
      } else {
      }
      %add3A_190 = arith.constant 4 : i32
      %add3A_191 = arith.addi %add3A_179, %add3A_190 : i32
      %lt3A_192 = arith.constant 200 : i32
      %lt3A_193 = arith.cmpi slt, %add3A_191, %lt3A_192 : i32
      %convert_element_type3A_194 = arith.extui %lt3A_193 : i1 to i32
      %cond3A_195 = arith.constant 0 : i32
      %cond3A_196 = arith.cmpi ne, %convert_element_type3A_194, %cond3A_195 : i32
      scf.if %cond3A_196 {
        %add3A_213 = arith.constant 4 : i32
        %add3A_214 = arith.addi %add3A_179, %add3A_213 : i32
        %mul3A_215 = arith.constant 4096 : i32
        %mul3A_216 = arith.muli %add3A_214, %mul3A_215 : i32
        %add3A_217 = arith.addi %mul3A_216, %multiple_of3A : i32
        %dma_start3A_218 = tpu.memref_slice %arg2[%add3A_217] : memref<819200xi32, #tpu.memory_space<hbm>> -> memref<128xi32, #tpu.memory_space<hbm>>
        %dma_start3A_219 = tpu.memref_slice %arg2[%add3A_217] : memref<819200xi32, #tpu.memory_space<hbm>> -> memref<128xi32, #tpu.memory_space<hbm>>
        tpu.enqueue_dma source(%dma_start3A_219 : memref<128xi32, #tpu.memory_space<hbm>>) target(%arg10 : memref<128xi32, #tpu.memory_space<vmem>>) target_semaphore(%arg22 : memref<!tpu.dma_semaphore, #tpu.memory_space<semaphore_mem>>)
      } else {
      }
      %ge3A_197 = arith.constant 4 : i32
      %ge3A_198 = arith.cmpi sge, %add3A_179, %ge3A_197 : i32
      %convert_element_type3A_199 = arith.extui %ge3A_198 : i1 to i32
      %cond3A_200 = arith.constant 0 : i32
      %cond3A_201 = arith.cmpi ne, %convert_element_type3A_199, %cond3A_200 : i32
      scf.if %cond3A_201 {
        %dma_wait3A_213 = arith.constant 0 : i32
        %dma_wait3A_214 = arith.constant 0 : i32
        %dma_wait3A_215 = tpu.memref_slice %arg5[%dma_wait3A_213, %dma_wait3A_214, %multiple_of3A] : memref<200x64x4096xf32, #tpu.memory_space<hbm>> -> memref<1x64x128xf32, #tpu.memory_space<hbm>>
        %dma_wait3A_216 = tpu.memref_squeeze %dma_wait3A_215 : memref<1x64x128xf32, #tpu.memory_space<hbm>> -> memref<64x128xf32, #tpu.memory_space<hbm>>
        %dma_wait3A_217 = arith.constant 0 : i32
        %dma_wait3A_218 = tpu.memref_slice %arg5[%dma_wait3A_213, %dma_wait3A_217, %multiple_of3A] : memref<200x64x4096xf32, #tpu.memory_space<hbm>> -> memref<1x64x128xf32, #tpu.memory_space<hbm>>
        %dma_wait3A_219 = tpu.memref_squeeze %dma_wait3A_218 : memref<1x64x128xf32, #tpu.memory_space<hbm>> -> memref<64x128xf32, #tpu.memory_space<hbm>>
        tpu.wait_dma2 semaphore(%arg30 : memref<!tpu.dma_semaphore, #tpu.memory_space<semaphore_mem>>) src(%arg18 : memref<64x128xf32, #tpu.memory_space<vmem>>) dst(%dma_wait3A_219 : memref<64x128xf32, #tpu.memory_space<hbm>>)
      } else {
      }
      %broadcast_in_dim3A_202 = vector.broadcast %add3A_179 : i32 to vector<16xi32>
      %parallel_loop3A_203 = arith.constant 0 : i32
      %parallel_loop3A_204 = arith.constant 64 : i32
      %parallel_loop3A_205 = arith.constant 1 : i32
      scf.for %parallel_loop3A_213 = %parallel_loop3A_203 to %parallel_loop3A_204 step %parallel_loop3A_205  : i32 {
        %parallel_loop3A_214 = arith.constant 4 : i32
        %parallel_loop3A_215 = arith.shrsi %parallel_loop3A_213, %parallel_loop3A_214 : i32
        %parallel_loop3A_216 = arith.constant 16 : i32
        %parallel_loop3A_217 = arith.muli %parallel_loop3A_215, %parallel_loop3A_216 : i32
        %parallel_loop3A_218 = arith.constant 15 : i32
        %parallel_loop3A_219 = arith.andi %parallel_loop3A_213, %parallel_loop3A_218 : i32
        %parallel_loop3A_220 = vector.broadcast %parallel_loop3A_219 : i32 to vector<16xi32>
        %parallel_loop3A_221 = arith.addi %iota3A, %parallel_loop3A_220 : vector<16xi32>
        %parallel_loop3A_222 = arith.constant 15 : i32
        %parallel_loop3A_223 = vector.broadcast %parallel_loop3A_222 : i32 to vector<16xi32>
        %parallel_loop3A_224 = arith.andi %parallel_loop3A_221, %parallel_loop3A_223 : vector<16xi32>
        %parallel_loop3A_225 = vector.broadcast %parallel_loop3A_217 : i32 to vector<16xi32>
        %parallel_loop3A_226 = arith.addi %parallel_loop3A_225, %parallel_loop3A_224 : vector<16xi32>
        %parallel_loop3A_227 = tpu.vector_load_idx %arg6[%broadcast_in_dim3A_202, %parallel_loop3A_226] : memref<200x64xf32, #tpu.memory_space<vmem>>[vector<16xi32>, vector<16xi32>], vector<16xf32>,
        %parallel_loop3A_228 = arith.constant 0 : i32
        %parallel_loop3A_229 = vector.broadcast %parallel_loop3A_228 : i32 to vector<16xi32>
        %parallel_loop3A_230 = arith.addi %iota3A, %parallel_loop3A_229 : vector<16xi32>
        %parallel_loop3A_231 = tpu.vector_load_idx %arg14[%parallel_loop3A_230, %parallel_loop3A_226] : memref<128x64xf32, #tpu.memory_space<vmem>>[vector<16xi32>, vector<16xi32>], vector<16xf32>,
        %parallel_loop3A_232 = arith.addf %parallel_loop3A_231, %parallel_loop3A_227 : vector<16xf32>
        tpu.vector_store_idx %arg18[%parallel_loop3A_226, %parallel_loop3A_230], %parallel_loop3A_232 : memref<64x128xf32, #tpu.memory_space<vmem>>[vector<16xi32>, vector<16xi32>], vector<16xf32>,
        %parallel_loop3A_233 = arith.constant 16 : i32
        %parallel_loop3A_234 = vector.broadcast %parallel_loop3A_233 : i32 to vector<16xi32>
        %parallel_loop3A_235 = arith.addi %iota3A, %parallel_loop3A_234 : vector<16xi32>
        %parallel_loop3A_236 = tpu.vector_load_idx %arg14[%parallel_loop3A_235, %parallel_loop3A_226] : memref<128x64xf32, #tpu.memory_space<vmem>>[vector<16xi32>, vector<16xi32>], vector<16xf32>,
        %parallel_loop3A_237 = arith.addf %parallel_loop3A_236, %parallel_loop3A_227 : vector<16xf32>
        tpu.vector_store_idx %arg18[%parallel_loop3A_226, %parallel_loop3A_235], %parallel_loop3A_237 : memref<64x128xf32, #tpu.memory_space<vmem>>[vector<16xi32>, vector<16xi32>], vector<16xf32>,
        %parallel_loop3A_238 = arith.constant 32 : i32
        %parallel_loop3A_239 = vector.broadcast %parallel_loop3A_238 : i32 to vector<16xi32>
        %parallel_loop3A_240 = arith.addi %iota3A, %parallel_loop3A_239 : vector<16xi32>
        %parallel_loop3A_241 = tpu.vector_load_idx %arg14[%parallel_loop3A_240, %parallel_loop3A_226] : memref<128x64xf32, #tpu.memory_space<vmem>>[vector<16xi32>, vector<16xi32>], vector<16xf32>,
        %parallel_loop3A_242 = arith.addf %parallel_loop3A_241, %parallel_loop3A_227 : vector<16xf32>
        tpu.vector_store_idx %arg18[%parallel_loop3A_226, %parallel_loop3A_240], %parallel_loop3A_242 : memref<64x128xf32, #tpu.memory_space<vmem>>[vector<16xi32>, vector<16xi32>], vector<16xf32>,
        %parallel_loop3A_243 = arith.constant 48 : i32
        %parallel_loop3A_244 = vector.broadcast %parallel_loop3A_243 : i32 to vector<16xi32>
        %parallel_loop3A_245 = arith.addi %iota3A, %parallel_loop3A_244 : vector<16xi32>
        %parallel_loop3A_246 = tpu.vector_load_idx %arg14[%parallel_loop3A_245, %parallel_loop3A_226] : memref<128x64xf32, #tpu.memory_space<vmem>>[vector<16xi32>, vector<16xi32>], vector<16xf32>,
        %parallel_loop3A_247 = arith.addf %parallel_loop3A_246, %parallel_loop3A_227 : vector<16xf32>
        tpu.vector_store_idx %arg18[%parallel_loop3A_226, %parallel_loop3A_245], %parallel_loop3A_247 : memref<64x128xf32, #tpu.memory_space<vmem>>[vector<16xi32>, vector<16xi32>], vector<16xf32>,
        %parallel_loop3A_248 = arith.constant 64 : i32
        %parallel_loop3A_249 = vector.broadcast %parallel_loop3A_248 : i32 to vector<16xi32>
        %parallel_loop3A_250 = arith.addi %iota3A, %parallel_loop3A_249 : vector<16xi32>
        %parallel_loop3A_251 = tpu.vector_load_idx %arg14[%parallel_loop3A_250, %parallel_loop3A_226] : memref<128x64xf32, #tpu.memory_space<vmem>>[vector<16xi32>, vector<16xi32>], vector<16xf32>,
        %parallel_loop3A_252 = arith.addf %parallel_loop3A_251, %parallel_loop3A_227 : vector<16xf32>
        tpu.vector_store_idx %arg18[%parallel_loop3A_226, %parallel_loop3A_250], %parallel_loop3A_252 : memref<64x128xf32, #tpu.memory_space<vmem>>[vector<16xi32>, vector<16xi32>], vector<16xf32>,
        %parallel_loop3A_253 = arith.constant 80 : i32
        %parallel_loop3A_254 = vector.broadcast %parallel_loop3A_253 : i32 to vector<16xi32>
        %parallel_loop3A_255 = arith.addi %iota3A, %parallel_loop3A_254 : vector<16xi32>
        %parallel_loop3A_256 = tpu.vector_load_idx %arg14[%parallel_loop3A_255, %parallel_loop3A_226] : memref<128x64xf32, #tpu.memory_space<vmem>>[vector<16xi32>, vector<16xi32>], vector<16xf32>,
        %parallel_loop3A_257 = arith.addf %parallel_loop3A_256, %parallel_loop3A_227 : vector<16xf32>
        tpu.vector_store_idx %arg18[%parallel_loop3A_226, %parallel_loop3A_255], %parallel_loop3A_257 : memref<64x128xf32, #tpu.memory_space<vmem>>[vector<16xi32>, vector<16xi32>], vector<16xf32>,
        %parallel_loop3A_258 = arith.constant 96 : i32
        %parallel_loop3A_259 = vector.broadcast %parallel_loop3A_258 : i32 to vector<16xi32>
        %parallel_loop3A_260 = arith.addi %iota3A, %parallel_loop3A_259 : vector<16xi32>
        %parallel_loop3A_261 = tpu.vector_load_idx %arg14[%parallel_loop3A_260, %parallel_loop3A_226] : memref<128x64xf32, #tpu.memory_space<vmem>>[vector<16xi32>, vector<16xi32>], vector<16xf32>,
        %parallel_loop3A_262 = arith.addf %parallel_loop3A_261, %parallel_loop3A_227 : vector<16xf32>
        tpu.vector_store_idx %arg18[%parallel_loop3A_226, %parallel_loop3A_260], %parallel_loop3A_262 : memref<64x128xf32, #tpu.memory_space<vmem>>[vector<16xi32>, vector<16xi32>], vector<16xf32>,
        %parallel_loop3A_263 = arith.constant 112 : i32
        %parallel_loop3A_264 = vector.broadcast %parallel_loop3A_263 : i32 to vector<16xi32>
        %parallel_loop3A_265 = arith.addi %iota3A, %parallel_loop3A_264 : vector<16xi32>
        %parallel_loop3A_266 = tpu.vector_load_idx %arg14[%parallel_loop3A_265, %parallel_loop3A_226] : memref<128x64xf32, #tpu.memory_space<vmem>>[vector<16xi32>, vector<16xi32>], vector<16xf32>,
        %parallel_loop3A_267 = arith.addf %parallel_loop3A_266, %parallel_loop3A_227 : vector<16xf32>
        tpu.vector_store_idx %arg18[%parallel_loop3A_226, %parallel_loop3A_265], %parallel_loop3A_267 : memref<64x128xf32, #tpu.memory_space<vmem>>[vector<16xi32>, vector<16xi32>], vector<16xf32>,
      } {sc.loop_unroll_factor = 2 : i64, sc.parallel_access}
      %dma_start3A_206 = arith.constant 0 : i32
      %dma_start3A_207 = tpu.memref_slice %arg5[%add3A_179, %dma_start3A_206, %multiple_of3A] : memref<200x64x4096xf32, #tpu.memory_space<hbm>> -> memref<1x64x128xf32, #tpu.memory_space<hbm>>
      %dma_start3A_208 = tpu.memref_squeeze %dma_start3A_207 : memref<1x64x128xf32, #tpu.memory_space<hbm>> -> memref<64x128xf32, #tpu.memory_space<hbm>>
      %dma_start3A_209 = arith.constant 0 : i32
      %dma_start3A_210 = tpu.memref_slice %arg5[%add3A_179, %dma_start3A_209, %multiple_of3A] : memref<200x64x4096xf32, #tpu.memory_space<hbm>> -> memref<1x64x128xf32, #tpu.memory_space<hbm>>
      %dma_start3A_211 = tpu.memref_squeeze %dma_start3A_210 : memref<1x64x128xf32, #tpu.memory_space<hbm>> -> memref<64x128xf32, #tpu.memory_space<hbm>>
      tpu.enqueue_dma source(%arg18 : memref<64x128xf32, #tpu.memory_space<vmem>>) target(%dma_start3A_211 : memref<64x128xf32, #tpu.memory_space<hbm>>) target_semaphore(%arg30 : memref<!tpu.dma_semaphore, #tpu.memory_space<semaphore_mem>>)
      %scan3A_212 = arith.constant 0 : i32
      scf.yield %scan3A_212 : i32
    }
    %scan3A_43 = arith.constant 50 : i32
    %dma_wait3A_44 = arith.constant 0 : i32
    %dma_wait3A_45 = arith.constant 0 : i32
    %dma_wait3A_46 = tpu.memref_slice %arg5[%dma_wait3A_44, %dma_wait3A_45, %multiple_of3A] : memref<200x64x4096xf32, #tpu.memory_space<hbm>> -> memref<1x64x128xf32, #tpu.memory_space<hbm>>
    %dma_wait3A_47 = tpu.memref_squeeze %dma_wait3A_46 : memref<1x64x128xf32, #tpu.memory_space<hbm>> -> memref<64x128xf32, #tpu.memory_space<hbm>>
    %dma_wait3A_48 = arith.constant 0 : i32
    %dma_wait3A_49 = tpu.memref_slice %arg5[%dma_wait3A_44, %dma_wait3A_48, %multiple_of3A] : memref<200x64x4096xf32, #tpu.memory_space<hbm>> -> memref<1x64x128xf32, #tpu.memory_space<hbm>>
    %dma_wait3A_50 = tpu.memref_squeeze %dma_wait3A_49 : memref<1x64x128xf32, #tpu.memory_space<hbm>> -> memref<64x128xf32, #tpu.memory_space<hbm>>
    tpu.wait_dma2 semaphore(%arg27 : memref<!tpu.dma_semaphore, #tpu.memory_space<semaphore_mem>>) src(%arg15 : memref<64x128xf32, #tpu.memory_space<vmem>>) dst(%dma_wait3A_50 : memref<64x128xf32, #tpu.memory_space<hbm>>)
    %dma_wait3A_51 = arith.constant 0 : i32
    %dma_wait3A_52 = arith.constant 0 : i32
    %dma_wait3A_53 = tpu.memref_slice %arg5[%dma_wait3A_51, %dma_wait3A_52, %multiple_of3A] : memref<200x64x4096xf32, #tpu.memory_space<hbm>> -> memref<1x64x128xf32, #tpu.memory_space<hbm>>
    %dma_wait3A_54 = tpu.memref_squeeze %dma_wait3A_53 : memref<1x64x128xf32, #tpu.memory_space<hbm>> -> memref<64x128xf32, #tpu.memory_space<hbm>>
    %dma_wait3A_55 = arith.constant 0 : i32
    %dma_wait3A_56 = tpu.memref_slice %arg5[%dma_wait3A_51, %dma_wait3A_55, %multiple_of3A] : memref<200x64x4096xf32, #tpu.memory_space<hbm>> -> memref<1x64x128xf32, #tpu.memory_space<hbm>>
    %dma_wait3A_57 = tpu.memref_squeeze %dma_wait3A_56 : memref<1x64x128xf32, #tpu.memory_space<hbm>> -> memref<64x128xf32, #tpu.memory_space<hbm>>
    tpu.wait_dma2 semaphore(%arg28 : memref<!tpu.dma_semaphore, #tpu.memory_space<semaphore_mem>>) src(%arg16 : memref<64x128xf32, #tpu.memory_space<vmem>>) dst(%dma_wait3A_57 : memref<64x128xf32, #tpu.memory_space<hbm>>)
    %dma_wait3A_58 = arith.constant 0 : i32
    %dma_wait3A_59 = arith.constant 0 : i32
    %dma_wait3A_60 = tpu.memref_slice %arg5[%dma_wait3A_58, %dma_wait3A_59, %multiple_of3A] : memref<200x64x4096xf32, #tpu.memory_space<hbm>> -> memref<1x64x128xf32, #tpu.memory_space<hbm>>
    %dma_wait3A_61 = tpu.memref_squeeze %dma_wait3A_60 : memref<1x64x128xf32, #tpu.memory_space<hbm>> -> memref<64x128xf32, #tpu.memory_space<hbm>>
    %dma_wait3A_62 = arith.constant 0 : i32
    %dma_wait3A_63 = tpu.memref_slice %arg5[%dma_wait3A_58, %dma_wait3A_62, %multiple_of3A] : memref<200x64x4096xf32, #tpu.memory_space<hbm>> -> memref<1x64x128xf32, #tpu.memory_space<hbm>>
    %dma_wait3A_64 = tpu.memref_squeeze %dma_wait3A_63 : memref<1x64x128xf32, #tpu.memory_space<hbm>> -> memref<64x128xf32, #tpu.memory_space<hbm>>
    tpu.wait_dma2 semaphore(%arg29 : memref<!tpu.dma_semaphore, #tpu.memory_space<semaphore_mem>>) src(%arg17 : memref<64x128xf32, #tpu.memory_space<vmem>>) dst(%dma_wait3A_64 : memref<64x128xf32, #tpu.memory_space<hbm>>)
    %dma_wait3A_65 = arith.constant 0 : i32
    %dma_wait3A_66 = arith.constant 0 : i32
    %dma_wait3A_67 = tpu.memref_slice %arg5[%dma_wait3A_65, %dma_wait3A_66, %multiple_of3A] : memref<200x64x4096xf32, #tpu.memory_space<hbm>> -> memref<1x64x128xf32, #tpu.memory_space<hbm>>
    %dma_wait3A_68 = tpu.memref_squeeze %dma_wait3A_67 : memref<1x64x128xf32, #tpu.memory_space<hbm>> -> memref<64x128xf32, #tpu.memory_space<hbm>>
    %dma_wait3A_69 = arith.constant 0 : i32
    %dma_wait3A_70 = tpu.memref_slice %arg5[%dma_wait3A_65, %dma_wait3A_69, %multiple_of3A] : memref<200x64x4096xf32, #tpu.memory_space<hbm>> -> memref<1x64x128xf32, #tpu.memory_space<hbm>>
    %dma_wait3A_71 = tpu.memref_squeeze %dma_wait3A_70 : memref<1x64x128xf32, #tpu.memory_space<hbm>> -> memref<64x128xf32, #tpu.memory_space<hbm>>
    tpu.wait_dma2 semaphore(%arg30 : memref<!tpu.dma_semaphore, #tpu.memory_space<semaphore_mem>>) src(%arg18 : memref<64x128xf32, #tpu.memory_space<vmem>>) dst(%dma_wait3A_71 : memref<64x128xf32, #tpu.memory_space<hbm>>)
    return
  }
}

</mosaic_0001>

<sc_bundles>
// kernel: kernel.3.cloned.1.call-start
scs
__scs_entry_jumppad:
0x0: {  	(pc) =	sbr.rel $0x88, $3  }
0x1: {  	(tag) =	ssettag $0x0;
	lr =	simm.s32 $0x1  }
0x2: {  	[smem:$0x3F9E] =	sst lr;
	_ =	strace $0xD0000000  }
0x3: {  	_ = 	snop  }
0x4: {  	_ = 	snop  }
0x5: {  	_ = 	snop  }
0x6: {  	_ = 	snop  }
0x7: {  	_ = 	snop  }
__scs_overlays_trampoline_lowered:
0x8: {  	[smem:$0x3FAD] =	sst s0  }
0x9: {  	[smem:$0x3FAE] =	sst s1  }
0xa: {  	[smem:$0x3FAF] =	sst s2  }
0xb: {  	[smem:$0x3FB0] =	sst s3  }
0xc: {  	[smem:$0x3FB1] =	sst s4  }
0xd: {  	[smem:$0x3FB2] =	sst s5  }
0xe: {  	[smem:$0x3FB3] =	sst s6  }
0xf: {  	[smem:$0x3FB4] =	sst s7  }
0x10: {  	[smem:$0x3FB5] =	sst s8  }
0x11: {  	[smem:$0x3FB6] =	sst s9;
	s0 =	simm.s32 @!p0 $0x0  }
0x12: {  	s1 =	sld [smem:$0x3F9C];
	s0 =	simm.s32 @p0 $0x1  }
0x13: {  	[smem:$0x3FB7] =	sst s0;
	s0 =	simm.s32 @!p1 $0x0  }
0x14: {  	s2 =	sld [smem:$0x3F9B];
	s0 =	simm.s32 @p1 $0x1  }
0x15: {  	[smem:$0x3FB8] =	sst s0;
	s0 =	simm.s32 @!p2 $0x0  }
0x16: {  	s3 =	sld [smem:$0x3FDB];
	s0 =	simm.s32 @p2 $0x1  }
0x17: {  	s4 =	simm.s32 $0x1BF5;
	[smem:$0x3FBA] =	sst s0  }
0x18: {  	s0 =	sld [smem:$0x3F9D];
	_ =	swait.ge [sflag:s4], $0x0  }
0x19: {  	s7 =	sld [smem:$0x3F9E]  }
0x1a: {  	s8 =	sadd.s32 $0xFFFFE003, lr  }
0x1b: {  	s9 =	sadd.s32 $0xFFFFFEF7, lr;
	s5 =	simm.s32 $0xFFFFFFFF;
	p2 =	slt.u32 s8, $0xFFFFF086  }
0x1c: {  	p1 =	slt.u32 s9, $0xF7A;
	s5 =	simm.s32 @!p2 $0x0  }
0x1d: {  	s5 =	simm.s32 @p1 $0x1;
	p0 =	seq.s32 s7, s2  }
0x1e: {  	s7 =	smul.u32 @!p0 $0xF7A, s2;
	p2 =	seq.s32 @!p0 s5, $0x0  }
0x1f: {  	s9 =	smul.u32 $0xF7A, s1;
	s8 =	simm.s32 @!p0 $0x1BF5;
	p2 =	por !p2, p0  }
0x20: {  	[sflag:s8] =	ssyncset.s32 @!p0 $0xFFFFF086;
	s6 =	sadd.s32 @!p0 s3, s7;
	s7 =	simm.s32 @!p0 $0x108  }
0x21: {  	s3 =	sadd.s32 s3, s9;
	s6 =	sadd.s32 @!p0 $0x88, s6;
	s7 =	simm.s32 @p2 $0x1082  }
0x22: {  	[simem:s7], [sflag:s8] =	dma.local @!p0 [hbm:s6], $0xF7A  }
0x23: {  	s9 =	sor.u32 $0xD0000000, s2;
	s6 =	simm.s32 $0x108;
	_ =	swait.ge @!p0 [sflag:s8], $0x0  }
0x24: {  	s3 =	sadd.s32 $0x88, s3;
	s6 =	simm.s32 @!p1 $0x1082;
	[sflag:s4] =	ssyncset.s32 $0xFFFFF086  }
0x25: {  	[simem:s6], [sflag:s4] =	dma.local [hbm:s3], $0xF7A  }
0x26: {  	[smem:$0x3F9E] =	sst s1;
	(tag) =	ssettag s2;
	_ =	strace s9  }
0x27: {  	s1 =	sld [smem:$0x3FAE]  }
0x28: {  	s2 =	sld [smem:$0x3FAF]  }
0x29: {  	s4 =	sld [smem:$0x3FB1]  }
0x2a: {  	p0 =	seq.s32 s5, $0x0;
	s5 =	sld [smem:$0x3FB2]  }
0x2b: {  	s6 =	sld [smem:$0x3FB3]  }
0x2c: {  	s7 =	sld [smem:$0x3FB4]  }
0x2d: {  	s3 =	simm.s32 $0x108;
	s8 =	sld [smem:$0x3FB5]  }
0x2e: {  	s3 =	simm.s32 @!p0 $0x1082;
	s9 =	sld [smem:$0x3FB6]  }
0x2f: {  	lr =	sadd.s32 s0, s3;
	s0 =	sld [smem:$0x3FAD]  }
0x30: {  	s3 =	sld [smem:$0x3FB0]  }
0x31: {  	[smem:$0x3FB9] =	sst s10  }
0x32: {  	s10 =	sld [smem:$0x3FB7];
	_ =	sdelay $0x3  }
0x33: {  	p0 =	seq.s32 s10, $0x1;
	s10 =	sld [smem:$0x3FB9];
	_ =	sdelay $0x3  }
0x34: {  	[smem:$0x3FB9] =	sst s10  }
0x35: {  	s10 =	sld [smem:$0x3FB8];
	_ =	sdelay $0x3  }
0x36: {  	p1 =	seq.s32 s10, $0x1;
	s10 =	sld [smem:$0x3FB9];
	_ =	sdelay $0x3  }
0x37: {  	[smem:$0x3FB9] =	sst s10  }
0x38: {  	s10 =	sld [smem:$0x3FBA]  }
0x39: {  	_ = 	snop;
	(pc) =	sbr.ind lr, $3  }
0x3a: {  	_ = 	snop  }
0x3b: {  	_ = 	snop  }
0x3c: {  	p2 =	seq.s32 s10, $0x1;
	s10 =	sld [smem:$0x3FB9]  }
0x3d: {  	_ =	shalt  }
0x3e: {  	_ =	shalt  }
0x3f: {  	_ =	shalt  }
0x40: {  	_ =	shalt  }
0x41: {  	_ =	shalt  }
0x42: {  	_ =	shalt  }
0x43: {  	_ =	shalt  }
0x44: {  	_ =	shalt  }
0x45: {  	_ =	shalt  }
0x46: {  	_ =	shalt  }
0x47: {  	_ =	shalt  }
0x48: {  	_ =	shalt  }
0x49: {  	_ =	shalt  }
0x4a: {  	_ =	shalt  }
0x4b: {  	_ =	shalt  }
0x4c: {  	_ =	shalt  }
0x4d: {  	_ =	shalt  }
0x4e: {  	_ =	shalt  }
0x4f: {  	_ =	shalt  }
0x50: {  	_ =	shalt  }
0x51: {  	_ =	shalt  }
0x52: {  	_ =	shalt  }
0x53: {  	_ =	shalt  }
0x54: {  	_ =	shalt  }
0x55: {  	_ =	shalt  }
0x56: {  	_ =	shalt  }
0x57: {  	_ =	shalt  }
0x58: {  	_ =	shalt  }
0x59: {  	_ =	shalt  }
0x5a: {  	_ =	shalt  }
0x5b: {  	_ =	shalt  }
0x5c: {  	_ =	shalt  }
0x5d: {  	_ =	shalt  }
0x5e: {  	_ =	shalt  }
0x5f: {  	_ =	shalt  }
0x60: {  	_ =	shalt  }
0x61: {  	_ =	shalt  }
0x62: {  	_ =	shalt  }
0x63: {  	_ =	shalt  }
0x64: {  	_ =	shalt  }
0x65: {  	_ =	shalt  }
0x66: {  	_ =	shalt  }
0x67: {  	_ =	shalt  }
0x68: {  	_ =	shalt  }
0x69: {  	_ =	shalt  }
0x6a: {  	_ =	shalt  }
0x6b: {  	_ =	shalt  }
0x6c: {  	_ =	shalt  }
0x6d: {  	_ =	shalt  }
0x6e: {  	_ =	shalt  }
0x6f: {  	_ =	shalt  }
0x70: {  	_ =	shalt  }
0x71: {  	_ =	shalt  }
0x72: {  	_ =	shalt  }
0x73: {  	_ =	shalt  }
0x74: {  	_ =	shalt  }
0x75: {  	_ =	shalt  }
0x76: {  	_ =	shalt  }
0x77: {  	_ =	shalt  }
0x78: {  	_ =	shalt  }
0x79: {  	_ =	shalt  }
0x7a: {  	_ =	shalt  }
0x7b: {  	_ =	shalt  }
0x7c: {  	_ =	shalt  }
0x7d: {  	_ =	shalt  }
0x7e: {  	_ =	shalt  }
0x7f: {  	_ =	shalt  }
0x80: {  	_ =	shalt  }
0x81: {  	_ =	shalt  }
0x82: {  	_ =	shalt  }
0x83: {  	_ =	shalt  }
0x84: {  	_ =	shalt  }
0x85: {  	_ =	shalt  }
0x86: {  	_ =	shalt  }
0x87: {  	_ =	shalt  }
.Lfunc_end0:
.L_simem_size_0:
called_computation_lowered:
.L_overlay_start_0:
0x88: {  	s2 =	sld [smem:$0x3FD9]  }
0x89: {  	s3 =	sld [smem:$0x3FFE];
	_ =	sdelay $0x1  }
0x8a: {  	s1 =	srdreg.scid  }
0x8b: {  	s0 =	sand.u32 $0x1, s1  }
0x8c: {  	s16 =	sshll.u32 s0, $0xA;
	s2 =	sadd.s32 s3, s2  }
0x8d: {  	s2 =	sadd.s32 s2, s16  }
0x8e: {  	[smem:$0x3FC5] =	sst s2  }
0x8f: {  	_ = 	snop  }
0x90: {  	(tm) =	ssettm $0x1  }
0x91: {  	s17 =	sld [smem:$0x3FFB];
	_ =	sdelay $0x3  }
0x92: {  	_ =	strace s17  }
0x93: {  	s2 =	sld [smem:$0x3FFC];
	_ =	sdelay $0x3  }
0x94: {  	_ =	strace s2  }
0x95: {  	s2 =	sld [smem:$0x3FFD];
	_ =	sdelay $0x3  }
0x96: {  	_ =	strace s2  }
0x97: {  	_ =	strace $0x8FFFFFFF  }
0x98: {  	s18 =	sld [smem:$0x3FDB];
	_ =	sdelay $0x1  }
0x99: {  	s19 =	simm.s32 $_scs_section_size  }
0x9a: {  	s4 =	simm.s32 $_size__tile_overlayer_lowered;
	s5 =	simm.s32 $_tile_overlayer_lowered  }
0x9b: {  	s22 =	simm.s32 $0x1BFF;
	s21 =	sshll.u32 s5, $0x1;
	s2 =	sadd.s32 s19, s18  }
0x9c: {  	s6 =	simm.s32 $0x0;
	s20 =	sshll.u32 s4, $0x1;
	s4 =	sadd.s32 s21, s2  }
0x9d: {  	[timem:s6], [sflag:s22] =	dma.local [hbm:s4], s20  }
0x9e: {  	_ =	swait.ge [sflag:s22], s20  }
0x9f: {  	s3 =	ssub.s32 $0x0, s20;
	[sflag:s22] =	ssyncset.done $0x0  }
0xa0: {  	[sflag:s22] =	ssyncadd.s32 s3;
	_ =	sdelay $0x1  }
0xa1: {  	s23 =	simm.s32 $0x1B8B  }
0xa2: {  	_ =	swait.ge [sflag:s23], $0x1  }
0xa3: {  	[sflag:s23] =	ssyncset.done $0x0  }
0xa4: {  	s25 =	simm.s32 $0x1B8E;
	s24 =	sld [smem:$0x3FFE];
	[sflag:s23] =	ssyncadd.s32 $0xFFFFFFFF  }
0xa5: {  	s26 =	simm.s32 $execute0_lowered;
	[smem:$0x3FD2] =	sst s25  }
0xa6: {  	s4 =	sshll.u32 s26, $0x1;
	_ =	strace $0x80000046;
	[dreg:$0x1] =	wrdreg $0xFFFFFFFF  }
0xa7: {  	s28 =	simm.s32 $_size_execute0_lowered;
	s2 =	sadd.s32 s2, s4;
	[dreg:$0x0] =	wrdreg $0x0  }
0xa8: {  	s4 =	sshll.u32 s28, $0x1;
	[dreg:$0x2] =	wrdreg s2  }
0xa9: {  	[dreg:$0x3] =	wrdreg s4  }
0xaa: {  	[dreg:$0x4] =	wrdreg $0xC0  }
0xab: {  	_ =	task [dreg:s6], $0x5FFFF  }
0xac: {  	[dreg:$0x1] =	wrdreg $0xFFFFFFFF  }
0xad: {  	[dreg:$0x0] =	wrdreg $0x60  }
0xae: {  	[dreg:$0x2] =	wrdreg s24  }
0xaf: {  	[dreg:$0x3] =	wrdreg $0x9  }
0xb0: {  	_ =	task.clear_ibuf [dreg:s6], $0x4FFFF;
	_ =	strace $0x90000046  }
0xb1: {  	s29 =	simm.s32 $0x9;
	_ =	strace $0x80000048  }
0xb2: {  	_ =	swait.ge [sflag:s29], $0x1  }
0xb3: {  	[sflag:s29] =	ssyncadd.s32 $0xFFFFFFFF  }
0xb4: {  	_ =	strace $0x90000048  }
0xb5: {  	_ =	sfence  }
0xb6: {  	s30 =	sld [smem:$0x0];
	_ =	sdelay $0x2  }
0xb7: {  	s31 =	sshll.u32 s1, $0xD;
	s1 =	sshrl.u32 s1, $0x2  }
0xb8: {  	s3 =	sand.u32 $0x4000, s31;
	s1 =	sadd.s32 s1, s30  }
0xb9: {  	s0 =	sor.u32 s3, s0;
	s1 =	sshll.u32 s1, $0x11  }
0xba: {  	s0 =	sor.u32 s1, s0  }
0xbb: {  	s0 =	sadd.s32 $0x8F2B, s0  }
0xbc: {  	[sflag:s0] =	ssyncadd.remote.s32 $0x1  }
0xbd: {  	_ =	sfence.sel $0xFFFF  }
0xbe: {  	[dreg:$0x0] =	wrdreg $0xFFFFFFFF;
	(pc) =	sbr.abs _section_cstart, $3  }
0xbf: {  	[dreg:$0x1] =	wrdreg $0xFFFFFFFF  }
0xc0: {  	_ =	task.clear_ibuf [dreg:s6], $0x2FFFF;
	_ =	strace $0x9FFFFFFF  }
0xc1: {  	(tm) =	ssettm $0x7FFFFFFF  }
tec
execute0_lowered:
.L_overlay_start_1:
0x0: {  	(tag) =	ssettag $0x1  }
0x1: {  	s0 =	rddreg [dreg:$0x0]  }
0x2: {  	s2 =	simm.s32 $0x0;
	s1 =	srdreg.scid;
	s4 =	stileid.u32  }
0x3: {  	s29 =	simm.s32 $0x7400;
	s30 =	simm.s32 $0x5;
	s31 =	simm.s32 $0x4  }
0x4: {  	s18 =	simm.s32 $0x1000;
	s9 =	simm.s32 $0xF400;
	s10 =	simm.s32 $0x8  }
0x5: {  	s11 =	simm.s32 $0x11400;
	s13 =	simm.s32 $0x0;
	[smem:$0x7FF] =	sst s2  }
0x6: {  	s1 =	sand.u32 $0x1, s1;
	s3 =	sadd.s32 $0xC00, s0;
	s5 =	sshll.u32 s4, $0x8  }
0x7: {  	s4 =	sadd.s32 $0x19C00, s0;
	s19 =	sadd.s32 $0x400, s0;
	s6 =	sshll.u32 s1, $0x7  }
0x8: {  	s7 =	sadd.s32 $0xDD200, s0;
	_ =	strace $0x80000047;
	s5 =	sor.u32 s6, s5  }
0x9: {  	s1 =	ssub.s32 $0x2, s1;
	[dreg:$0x2] =	wrdreg s19;
	s25 =	sor.u32 $0x4000, s5  }
0xa: {  	v63 =	vlaneseq.u32;
	s20 =	sshrl.u32 s1, $0x1;
	s26 =	sor.u32 $0x5000, s5;
	[dreg:$0x7] =	wrdreg s25  }
0xb: {  	v14 =	vor.u32 $0x60, v63;
	s8 =	sshrl.u32 s5, $0x3;
	s28 =	sor.u32 $0x6000, s5;
	[dreg:$0x8] =	wrdreg s26  }
0xc: {  	v60 =	vmul.u32 $0x40, v63;
	v10 =	vor.u32 $0x40, v63;
	[tilespmem:$0x1FFA0] =	vst v14;
	s21 =	ssub.s32 s1, s20;
	s22 =	sadd.s32 s3, s8;
	[dreg:$0x9] =	wrdreg s28  }
0xd: {  	v6 =	vor.u32 $0x20, v63;
	s19 =	simm.s32 $0x6;
	[tilespmem:$0x1FFD0] =	vst v10;
	s0 =	smax.u32 s21, $0x1;
	[dreg:$0x3] =	wrdreg s22  }
0xe: {  	[tilespmem:$0x1FFE0] =	vst v6;
	s6 =	simm.s32 $0x7;
	v15 =	vor.u32 $0x1C00, v60;
	s23 =	sadd.s32 $0x200, s22;
	[dreg:$0xa] =	wrdreg s0  }
0xf: {  	v13 =	vor.u32 $0x1800, v60;
	s15 =	sor.u32 $0x7000, s5;
	[tilespmem:$0x1FF90] =	vst v15;
	s24 =	sadd.s32 $0x400, s22;
	[dreg:$0x4] =	wrdreg s23  }
0x10: {  	v61 =	vor.u32 $0x10, v63;
	v8 =	vor.u32 $0x30, v63;
	v11 =	vor.u32 $0x1400, v60;
	s20 =	simm.s32 $0xD400;
	[tilespmem:$0x1FFB0] =	vst v13;
	s1 =	sadd.s32 $0x600, s22;
	[dreg:$0x5] =	wrdreg s24  }
0x11: {  	v12 =	vor.u32 $0x50, v63;
	v7 =	vor.u32 $0x70, v63;
	v0 =	vor.u32 $0x400, v60;
	[tilespmem:$0x1FFC0] =	vst v11;
	s26 =	simm.s32 $0x5400;
	s0 =	simm.s32 $0x9400;
	[dreg:$0x6] =	wrdreg s1  }
0x12: {  	v62 =	vor.u32 $0x800, v60;
	v3 =	vor.u32 $0xC00, v60;
	v9 =	vor.u32 $0x1000, v60;
	[tilespmem:$0x1FFF0] =	vst v0;
	s23 =	simm.s32 $0x80;
	s24 =	simm.s32 $0x3400;
	s1 =	simm.s32 $0xB400  }
.LBB2_1:
0x13: {  	[dreg:$0xb] =	wrdreg s13  }
0x14: {  	s8 =	rddreg [dreg:$0x2];
	s17 =	simm.s32 $0xD  }
0x15: {  	[tilespmem:s2], [sflag:$0xD] =	stream.linear.gather [hbm4b:s8+s2], $0x3200, $0x38;
	[tilespmem:$0x13400] =	vst v63  }
0x16: {  	_ =	swait.ge [sflag:s17], $0x3200  }
0x17: {  	[sflag:s17] =	ssyncset.done $0x0  }
0x18: {  	s12 =	simm.s32 $0x3200;
	s21 =	rddreg [dreg:$0x3];
	[sflag:s17] =	ssyncadd.s32 $0xFFFFCE00  }
0x19: {  	[tilespmem:s12], [sflag:$0x1] =	stream.linear.gather [hbm4b:s21+s2], $0x80, $0x38;
	[tilespmem:$0x13400] =	vst v63  }
0x1a: {  	s25 =	simm.s32 $0x3280;
	s22 =	rddreg [dreg:$0x4]  }
0x1b: {  	[tilespmem:s25], [sflag:$0x2] =	stream.linear.gather [hbm4b:s22+s2], $0x80, $0x38;
	[tilespmem:$0x13400] =	vst v63  }
0x1c: {  	s14 =	simm.s32 $0x3300;
	s16 =	rddreg [dreg:$0x5]  }
0x1d: {  	[tilespmem:s14], [sflag:$0x3] =	stream.linear.gather [hbm4b:s16+s2], $0x80, $0x38;
	[tilespmem:$0x13400] =	vst v63  }
0x1e: {  	s17 =	rddreg [dreg:$0x6];
	s21 =	simm.s32 $0x1;
	s16 =	simm.s32 $0x3380  }
0x1f: {  	[tilespmem:s16], [sflag:$0x4] =	stream.linear.gather [hbm4b:s17+s2], $0x80, $0x38;
	[tilespmem:$0x13400] =	vst v63  }
0x20: {  	_ =	swait.ge [sflag:s21], $0x80  }
0x21: {  	[sflag:s21] =	ssyncset.done $0x0  }
0x22: {  	s22 =	simm.s32 $0x2;
	[sflag:s21] =	ssyncadd.s32 $0xFFFFFF80  }
0x23: {  	[tilespmem:s24], [sflag:$0x5] =	stream.indirect.gather [hbm4b:s4+s23], $0x40, s12, s23, $0xb8;
	[tilespmem:$0x13400] =	vst v63  }
0x24: {  	_ =	swait.ge [sflag:s22], $0x80  }
0x25: {  	[sflag:s22] =	ssyncset.done $0x0  }
0x26: {  	[sflag:s22] =	ssyncadd.s32 $0xFFFFFF80  }
0x27: {  	[tilespmem:s26], [sflag:$0x6] =	stream.indirect.gather [hbm4b:s4+s23], $0x40, s25, s23, $0xb8;
	[tilespmem:$0x13400] =	vst v63  }
0x28: {  	s25 =	simm.s32 $0x3  }
0x29: {  	_ =	swait.ge [sflag:s25], $0x80  }
0x2a: {  	[sflag:s25] =	ssyncset.done $0x0  }
0x2b: {  	s28 =	simm.s32 $0x0;
	[sflag:s25] =	ssyncadd.s32 $0xFFFFFF80  }
0x2c: {  	[tilespmem:s29], [sflag:$0x7] =	stream.indirect.gather [hbm4b:s4+s23], $0x40, s14, s23, $0xb8;
	[tilespmem:$0x13400] =	vst v63  }
.LBB2_2:
0x2d: {  	_ =	swait.ge [sflag:s30], $0x2000  }
0x2e: {  	[sflag:s30] =	ssyncset.done $0x0  }
0x2f: {  	[sflag:s30] =	ssyncadd.s32 $0xFFFFE000  }
0x30: {  	p0 =	seq.s32 s28, $0x31;
	_ =	swait.ge [sflag:s31], $0x80  }
0x31: {  	p1 =	seq.s32 @!p0 s28, $0x0;
	[sflag:s31] =	ssyncset.done $0x0  }
0x32: {  	s8 =	simm.s32 $0x3380;
	p1 =	por p0, !p1;
	[sflag:s31] =	ssyncadd.s32 $0xFFFFFF80  }
0x33: {  	[tilespmem:s0], [sflag:$0x8] =	stream.indirect.gather [hbm4b:s4+s23], $0x40, s8, s23, $0xb8;
	[tilespmem:$0x13400] =	vst v63  }
.Ltmp0:
0x34: {  	s17 =	sshll.u32 @!p0 s28, $0xE;
	s8 =	rddreg [dreg:$0x7];
	(pc) =	sbr.rel @!p1 .LBB2_3-.Ltmp0, $4  }
0x35: {  	s8 =	sadd.s32 @!p0 s8, s17  }
0x36: {  	s8 =	sshrl.u32 @!p0 s8, $0x3  }
0x37: {  	s21 =	simm.s32 @!p0 $0x0;
	s22 =	simm.s32 @!p0 $0x3200;
	s8 =	sadd.s32 @!p0 s3, s8  }
0x38: {  	[tilespmem:s22], [sflag:$0x1] =	stream.linear.gather @!p0 [hbm4b:s8+s21], $0x80, $0x38;
	[tilespmem:$0x13400] =	vst v63  }
.Ltmp1:
0x39: {  	(pc) =	sbr.rel .LBB2_5-.Ltmp1, $4  }
0x3a: {  	s8 =	simm.s32 $0x9  }
0x3b: {  	_ =	swait.ge [sflag:s8], $0x2000  }
0x3c: {  	[sflag:s8] =	ssyncset.done $0x0  }
0x3d: {  	p1 =	por $0x0, $0x0;
	[sflag:s8] =	ssyncadd.s32 $0xFFFFE000  }
.LBB2_3:
0x3e: {  	p1 =	por @!p0 $0x1, $0x1  }
.LBB2_5:
0x3f: {  	s8 =	simm.s32 $0x0  }
0x40: {  	s21 =	sand.u32 $0xE, s8  }
0x41: {  	s22 =	sor.u32 $0x1, s21  }
0x42: {  	v16 =	vadd.s32 s22, v63  }
0x43: {  	s8 =	sand.u32 $0x30, s8;
	v17 =	vand.u32 $0xF, v16  }
0x44: {  	v17 =	vor.u32 s8, v17  }
0x45: {  	s25 =	sshll.u32 s28, $0x2;
	v18 =	vadd.s32 s21, v63;
	v16 =	vand.u32 $0x7, v16;
	v19 =	vand.u32 $0x38, v17  }
0x46: {  	s12 =	sshll.u32 s25, $0x6;
	v20 =	vand.u32 $0xF, v18;
	v31 =	vor.u32 v16, v19  }
0x47: {  	v23 =	vmov s12;
	v19 =	vor.u32 s8, v20;
	v16 =	vor.u32 v60, v31  }
0x48: {  	v18 =	vand.u32 $0x7, v18;
	v20 =	vand.u32 $0x38, v19;
	v21 =	vor.u32 v23, v31  }
0x49: {  	v37 =	vor.u32 v18, v20  }
0x4a: {  	v18 =	vor.u32 v23, v37  }
0x4b: {  	v20 =	vor.u32 v60, v37  }
0x4c: {  	v22 =	vld.idx.msk [tilespmem:v16+s24+$0x0], $0xffff  }
0x4d: {  	v34 =	vld.idx.msk [tilespmem:v21+s2+$0x0], $0xffff  }
0x4e: {  	v32 =	vshll.u32 v17, $0x7  }
0x4f: {  	v17 =	vor.u32 v63, v32;
	v16 =	vld.idx.msk [tilespmem:v18+s2+$0x0], $0xffff  }
0x50: {  	v18 =	vld.idx.msk [tilespmem:v20+s24+$0x0], $0xffff;
	v20 =	vor.u32 v0, v31  }
0x51: {  	v39 =	vshll.u32 v19, $0x7  }
0x52: {  	v19 =	vor.u32 v63, v39;
	v21 =	vadd.f32 v22, v34  }
0x53: {  	v22 =	vor.u32 v0, v37  }
0x54: {  	s13 =	simm.s32 $0x2;
	[tilespmem:v17+s1+$0x0] =	vst.idx.msk $0xffff, v21  }
0x55: {  	s14 =	sand.u32 $0xE, s13;
	v17 =	vadd.f32 v18, v16;
	v18 =	vld.idx.msk [tilespmem:v20+s24+$0x0], $0xffff  }
0x56: {  	s16 =	sor.u32 $0x1, s14;
	v26 =	vor.u32 v62, v31  }
0x57: {  	v21 =	vadd.s32 s16, v63;
	v20 =	vor.u32 v61, v32;
	[tilespmem:v19+s1+$0x0] =	vst.idx.msk $0xffff, v17;
	v17 =	vadd.s32 s14, v63  }
0x58: {  	s8 =	sand.u32 $0x30, s13;
	v27 =	vor.u32 v61, v39;
	v25 =	vand.u32 $0xF, v21;
	v22 =	vld.idx.msk [tilespmem:v22+s24+$0x0], $0xffff;
	v24 =	vand.u32 $0xF, v17  }
0x59: {  	v30 =	vand.u32 $0x7, v21;
	v25 =	vor.u32 s8, v25;
	v24 =	vor.u32 s8, v24  }
0x5a: {  	v17 =	vand.u32 $0x7, v17;
	v28 =	vand.u32 $0x38, v24;
	v18 =	vadd.f32 v18, v34  }
0x5b: {  	v19 =	vor.u32 v62, v37;
	v29 =	vand.u32 $0x38, v25;
	v21 =	vor.u32 v17, v28  }
0x5c: {  	v17 =	vor.u32 v23, v21;
	[tilespmem:v20+s1+$0x0] =	vst.idx.msk $0xffff, v18;
	v20 =	vor.u32 v30, v29  }
0x5d: {  	v18 =	vadd.f32 v22, v16;
	v22 =	vld.idx.msk [tilespmem:v26+s24+$0x0], $0xffff;
	v26 =	vor.u32 v60, v20  }
0x5e: {  	v28 =	vor.u32 v23, v20  }
0x5f: {  	v29 =	vor.u32 v60, v21;
	[tilespmem:v27+s1+$0x0] =	vst.idx.msk $0xffff, v18;
	v27 =	vor.u32 v6, v32  }
0x60: {  	v33 =	vor.u32 v3, v31;
	v30 =	vld.idx.msk [tilespmem:v19+s24+$0x0], $0xffff  }
0x61: {  	v17 =	vld.idx.msk [tilespmem:v17+s2+$0x0], $0xffff  }
0x62: {  	v19 =	vadd.f32 v22, v34;
	v26 =	vld.idx.msk [tilespmem:v26+s24+$0x0], $0xffff  }
0x63: {  	s12 =	simm.s32 $0x4;
	v35 =	vor.u32 v14, v32;
	v18 =	vld.idx.msk [tilespmem:v28+s2+$0x0], $0xffff  }
0x64: {  	v41 =	vor.u32 v8, v32;
	s13 =	sand.u32 $0xE, s12;
	v40 =	vshll.u32 v25, $0x7;
	v25 =	vld.idx.msk [tilespmem:v29+s24+$0x0], $0xffff;
	[tilespmem:v27+s1+$0x0] =	vst.idx.msk $0xffff, v19  }
0x65: {  	v56 =	vadd.s32 s13, v63;
	v19 =	vshll.u32 v24, $0x7;
	v24 =	vor.u32 v63, v40;
	v28 =	vld.idx.msk [tilespmem:v33+s24+$0x0], $0xffff  }
0x66: {  	v43 =	vor.u32 v6, v39;
	v55 =	vor.u32 v0, v20;
	v29 =	vor.u32 v63, v19  }
0x67: {  	v44 =	vor.u32 v3, v37;
	v50 =	vor.u32 v9, v37;
	s14 =	sor.u32 $0x1, s13;
	v38 =	vor.u32 v0, v21  }
0x68: {  	v45 =	vadd.s32 s14, v63;
	v27 =	vor.u32 v9, v31;
	v26 =	vadd.f32 v26, v18  }
0x69: {  	v36 =	vor.u32 v61, v40;
	v57 =	vor.u32 v62, v21;
	v25 =	vadd.f32 v25, v17  }
0x6a: {  	v58 =	vand.u32 $0xF, v45;
	v42 =	vor.u32 v9, v20;
	[tilespmem:v24+s1+$0x0] =	vst.idx.msk $0xffff, v26;
	v24 =	vadd.f32 v28, v34  }
0x6b: {  	v46 =	vor.u32 v62, v20;
	v30 =	vadd.f32 v30, v16;
	[tilespmem:v29+s1+$0x0] =	vst.idx.msk $0xffff, v25;
	v25 =	vld.idx.msk [tilespmem:v55+s24+$0x0], $0xffff  }
0x6c: {  	v22 =	vor.u32 v14, v40;
	v59 =	vor.u32 v61, v19;
	v28 =	vld.idx.msk [tilespmem:v38+s24+$0x0], $0xffff;
	[tilespmem:v41+s1+$0x0] =	vst.idx.msk $0xffff, v24  }
0x6d: {  	s8 =	sand.u32 $0x30, s12;
	[tilespmem:v43+s1+$0x0] =	vst.idx.msk $0xffff, v30;
	v30 =	vand.u32 $0x7, v45;
	v43 =	vor.u32 v8, v39;
	v24 =	vand.u32 $0xF, v56;
	v47 =	vld.idx.msk [tilespmem:v27+s24+$0x0], $0xffff  }
0x6e: {  	v26 =	vor.u32 v10, v32;
	v29 =	vor.u32 v11, v31;
	v48 =	vor.u32 s8, v24  }
0x6f: {  	v24 =	vor.u32 s8, v58;
	v27 =	vand.u32 $0x7, v56;
	v49 =	vand.u32 $0x38, v48  }
0x70: {  	v52 =	vand.u32 $0x38, v24;
	v25 =	vadd.f32 v25, v18;
	v27 =	vor.u32 v27, v49  }
0x71: {  	v53 =	vadd.f32 v28, v17;
	v54 =	vor.u32 v23, v27;
	v28 =	vor.u32 v30, v52  }
0x72: {  	v30 =	vld.idx.msk [tilespmem:v44+s24+$0x0], $0xffff;
	[tilespmem:v36+s1+$0x0] =	vst.idx.msk $0xffff, v25;
	v55 =	vor.u32 v60, v28;
	v25 =	vadd.f32 v47, v34  }
0x73: {  	v24 =	vshll.u32 v24, $0x7;
	v56 =	vor.u32 v23, v28;
	v44 =	vld.idx.msk [tilespmem:v46+s24+$0x0], $0xffff;
	[tilespmem:v59+s1+$0x0] =	vst.idx.msk $0xffff, v53  }
0x74: {  	v41 =	vor.u32 v60, v27;
	v52 =	vor.u32 v12, v32;
	v38 =	vld.idx.msk [tilespmem:v57+s24+$0x0], $0xffff;
	[tilespmem:v26+s1+$0x0] =	vst.idx.msk $0xffff, v25  }
0x75: {  	v33 =	vor.u32 v9, v28;
	v49 =	vor.u32 v0, v28;
	v47 =	vor.u32 v61, v24;
	v51 =	vld.idx.msk [tilespmem:v29+s24+$0x0], $0xffff  }
0x76: {  	v59 =	vor.u32 v3, v20;
	v53 =	vor.u32 v6, v19;
	v57 =	vor.u32 v6, v40;
	v26 =	vld.idx.msk [tilespmem:v54+s2+$0x0], $0xffff  }
0x77: {  	v46 =	vor.u32 v13, v31;
	v25 =	vshll.u32 v48, $0x7;
	v29 =	vor.u32 v14, v24;
	v36 =	vld.idx.msk [tilespmem:v55+s24+$0x0], $0xffff  }
0x78: {  	v58 =	vadd.f32 v30, v16;
	v54 =	vor.u32 v3, v21;
	v45 =	vor.u32 v63, v25;
	v30 =	vld.idx.msk [tilespmem:v56+s2+$0x0], $0xffff  }
0x79: {  	v2 =	vmovc v13;
	v55 =	vor.u32 v63, v24;
	v56 =	vor.u32 v11, v37;
	v44 =	vadd.f32 v44, v18  }
0x7a: {  	v41 =	vld.idx.msk [tilespmem:v41+s24+$0x0], $0xffff;
	[tilespmem:v43+s1+$0x0] =	vst.idx.msk $0xffff, v58;
	v58 =	vor.u32 v2, v37;
	v38 =	vadd.f32 v38, v17  }
0x7b: {  	v43 =	vld.idx.msk [tilespmem:v50+s24+$0x0], $0xffff;
	v50 =	vor.u32 v10, v39;
	[tilespmem:v57+s1+$0x0] =	vst.idx.msk $0xffff, v44;
	v44 =	vadd.f32 v51, v34  }
0x7c: {  	v57 =	vor.u32 v12, v39;
	v51 =	vor.u32 v0, v27;
	[tilespmem:v53+s1+$0x0] =	vst.idx.msk $0xffff, v38  }
0x7d: {  	v48 =	vld.idx.msk [tilespmem:v59+s24+$0x0], $0xffff;
	v59 =	vor.u32 v11, v20;
	v36 =	vadd.f32 v36, v30;
	[tilespmem:v52+s1+$0x0] =	vst.idx.msk $0xffff, v44  }
0x7e: {  	s21 =	simm.s32 $0x6;
	v53 =	vor.u32 v62, v28;
	v44 =	vor.u32 v14, v39;
	v52 =	vor.u32 v7, v32;
	v46 =	vld.idx.msk [tilespmem:v46+s24+$0x0], $0xffff  }
0x7f: {  	s16 =	sand.u32 $0xE, s21;
	v32 =	vadd.f32 v41, v26;
	[tilespmem:v55+s1+$0x0] =	vst.idx.msk $0xffff, v36;
	v36 =	vor.u32 v8, v40  }
0x80: {  	v41 =	vadd.f32 v43, v16;
	v55 =	vor.u32 v15, v31;
	v31 =	vadd.s32 s16, v63  }
0x81: {  	s8 =	sor.u32 $0x1, s16;
	v43 =	vld.idx.msk [tilespmem:v49+s24+$0x0], $0xffff;
	v49 =	vor.u32 v10, v40;
	[tilespmem:v45+s1+$0x0] =	vst.idx.msk $0xffff, v32;
	v45 =	vor.u32 v62, v27  }
0x82: {  	v32 =	vadd.f32 v48, v18;
	v48 =	vld.idx.msk [tilespmem:v51+s24+$0x0], $0xffff;
	[tilespmem:v50+s1+$0x0] =	vst.idx.msk $0xffff, v41;
	v50 =	vand.u32 $0x7, v31;
	v51 =	vadd.s32 s8, v63  }
0x83: {  	s22 =	sand.u32 $0x30, s21;
	v31 =	vand.u32 $0xF, v31;
	v41 =	vadd.f32 v46, v34;
	v46 =	vld.idx.msk [tilespmem:v56+s24+$0x0], $0xffff;
	v56 =	vand.u32 $0xF, v51  }
0x84: {  	v5 =	vmovc v62;
	v62 =	vor.u32 v2, v20;
	[tilespmem:v36+s1+$0x0] =	vst.idx.msk $0xffff, v32;
	v36 =	vor.u32 s22, v31;
	v32 =	vor.u32 s22, v56  }
0x85: {  	v56 =	vor.u32 v61, v25;
	v42 =	vld.idx.msk [tilespmem:v42+s24+$0x0], $0xffff;
	v38 =	vand.u32 $0x38, v36;
	v31 =	vshll.u32 v32, $0x7  }
0x86: {  	[tilespmem:v35+s1+$0x0] =	vst.idx.msk $0xffff, v41;
	v35 =	vadd.f32 v43, v30;
	v43 =	vand.u32 $0x38, v32;
	v32 =	vor.u32 v50, v38  }
0x87: {  	v4 =	vmovc v61;
	v38 =	vand.u32 $0x7, v51;
	v48 =	vadd.f32 v48, v26;
	v50 =	vld.idx.msk [tilespmem:v54+s24+$0x0], $0xffff;
	v54 =	vor.u32 v8, v19  }
0x88: {  	v13 =	vmovc v11;
	v41 =	vor.u32 v61, v31;
	v38 =	vor.u32 v38, v43;
	v43 =	vor.u32 v60, v32  }
0x89: {  	v55 =	vld.idx.msk [tilespmem:v55+s24+$0x0], $0xffff;
	v61 =	vor.u32 v63, v31;
	[tilespmem:v47+s1+$0x0] =	vst.idx.msk $0xffff, v35;
	v47 =	vor.u32 v23, v32  }
0x8a: {  	v11 =	vmov v60;
	v51 =	vor.u32 v23, v38;
	v35 =	vadd.f32 v46, v16;
	[tilespmem:v56+s1+$0x0] =	vst.idx.msk $0xffff, v48  }
0x8b: {  	v46 =	vld.idx.msk [tilespmem:v53+s24+$0x0], $0xffff;
	v48 =	vor.u32 v60, v38;
	v53 =	vadd.f32 v42, v18;
	v42 =	vor.u32 v9, v38  }
0x8c: {  	v60 =	vor.u32 v15, v37;
	v45 =	vld.idx.msk [tilespmem:v45+s24+$0x0], $0xffff;
	[tilespmem:v57+s1+$0x0] =	vst.idx.msk $0xffff, v35;
	v57 =	vor.u32 v6, v24  }
0x8d: {  	v35 =	vshll.u32 v36, $0x7;
	v50 =	vadd.f32 v50, v17;
	v56 =	vld.idx.msk [tilespmem:v58+s24+$0x0], $0xffff;
	[tilespmem:v49+s1+$0x0] =	vst.idx.msk $0xffff, v53  }
0x8e: {  	v55 =	vadd.f32 v55, v34;
	v58 =	vor.u32 v9, v21;
	v49 =	vor.u32 v6, v25;
	v53 =	vld.idx.msk [tilespmem:v59+s24+$0x0], $0xffff  }
0x8f: {  	v34 =	vor.u32 v14, v31;
	v6 =	vmovc v7;
	v7 =	vmov v3;
	v36 =	vld.idx.msk [tilespmem:v47+s2+$0x0], $0xffff;
	v47 =	vor.u32 v3, v27  }
0x90: {  	v59 =	vor.u32 v12, v40;
	[tilespmem:v54+s1+$0x0] =	vst.idx.msk $0xffff, v50;
	v37 =	vld.idx.msk [tilespmem:v51+s2+$0x0], $0xffff;
	v46 =	vadd.f32 v46, v30  }
0x91: {  	v50 =	vor.u32 v10, v19;
	v54 =	vor.u32 v0, v32;
	[tilespmem:v52+s1+$0x0] =	vst.idx.msk $0xffff, v55;
	v48 =	vld.idx.msk [tilespmem:v48+s24+$0x0], $0xffff  }
0x92: {  	v52 =	vor.u32 v3, v28;
	v45 =	vadd.f32 v45, v26;
	[tilespmem:v57+s1+$0x0] =	vst.idx.msk $0xffff, v46;
	v57 =	vld.idx.msk [tilespmem:v43+s24+$0x0], $0xffff  }
0x93: {  	v40 =	vor.u32 v6, v40;
	v43 =	vor.u32 v6, v39;
	v55 =	vadd.f32 v56, v16;
	v58 =	vld.idx.msk [tilespmem:v58+s24+$0x0], $0xffff  }
0x94: {  	v3 =	vmov v0;
	v39 =	vor.u32 v14, v19;
	v46 =	vor.u32 v12, v19;
	[tilespmem:v49+s1+$0x0] =	vst.idx.msk $0xffff, v45  }
0x95: {  	v45 =	vadd.f32 v53, v18;
	[tilespmem:v44+s1+$0x0] =	vst.idx.msk $0xffff, v55;
	v55 =	vor.u32 v63, v35;
	v44 =	vld.idx.msk [tilespmem:v47+s24+$0x0], $0xffff  }
0x96: {  	v56 =	vor.u32 v0, v38;
	v49 =	vor.u32 v13, v21;
	v47 =	vld.idx.msk [tilespmem:v60+s24+$0x0], $0xffff;
	v60 =	vadd.f32 v48, v37  }
0x97: {  	v51 =	vld.idx.msk [tilespmem:v52+s24+$0x0], $0xffff;
	v52 =	vor.u32 v8, v24;
	[tilespmem:v59+s1+$0x0] =	vst.idx.msk $0xffff, v45;
	v45 =	vor.u32 v2, v21  }
0x98: {  	s8 =	sshllo.u32 s28, $0x2;
	v57 =	vadd.f32 v57, v36;
	v48 =	vld.idx.msk [tilespmem:v62+s24+$0x0], $0xffff;
	[tilespmem:v61+s1+$0x0] =	vst.idx.msk $0xffff, v60;
	v53 =	vadd.f32 v58, v17  }
.LBB2_6:
0x99: {  	s21 =	sadd.s32 $0x2, s21;
	v10 =	vld [tilespmem:$0x1FFD0]  }
0x9a: {  	v58 =	vmov v19;
	v13 =	vld [tilespmem:$0x1FFC0];
	[tilespmem:v55+s1+$0x0] =	vst.idx.msk $0xffff, v57;
	v57 =	vor.u32 v15, v20;
	v20 =	vmov v28;
	s22 =	sand.u32 $0xE, s21  }
0x9b: {  	v28 =	vmov v38;
	v38 =	vld.idx.msk [tilespmem:v54+s24+$0x0], $0xffff;
	[tilespmem:v50+s1+$0x0] =	vst.idx.msk $0xffff, v53;
	v62 =	vadd.s32 s22, v63;
	s22 =	sor.u32 $0x1, s22;
	v50 =	vor.u32 v5, v32  }
0x9c: {  	v19 =	vmovc v25;
	v25 =	vmovc v35;
	v55 =	vld.idx.msk [tilespmem:v56+s24+$0x0], $0xffff;
	v51 =	vadd.f32 v51, v30;
	v53 =	vand.u32 $0x7, v62;
	v59 =	vadd.s32 s22, v63  }
0x9d: {  	s16 =	sand.u32 $0x30, s21;
	v49 =	vld.idx.msk [tilespmem:v49+s24+$0x0], $0xffff;
	v60 =	vand.u32 $0xF, v62;
	v61 =	vadd.f32 v47, v16;
	v16 =	vmovc v17;
	v48 =	vadd.f32 v48, v18  }
0x9e: {  	v17 =	vmovc v26;
	v47 =	vor.u32 v5, v28;
	[tilespmem:v52+s1+$0x0] =	vst.idx.msk $0xffff, v51;
	v26 =	vmov v36;
	v35 =	vor.u32 s16, v60  }
0x9f: {  	v56 =	vor.u32 v10, v24;
	v54 =	vor.u32 v13, v20;
	v51 =	vld.idx.msk [tilespmem:v33+s24+$0x0], $0xffff;
	v33 =	vmovc v42;
	v63 =	vand.u32 $0x38, v35  }
0xa0: {  	v2 =	vld [tilespmem:$0x1FFA0];
	v44 =	vadd.f32 v44, v17;
	[tilespmem:v43+s1+$0x0] =	vst.idx.msk $0xffff, v61;
	v61 =	vand.u32 $0xF, v59;
	v43 =	vor.u32 v4, v25  }
0xa1: {  	v0 =	vld [tilespmem:$0x1FFE0];
	[tilespmem:v22+s1+$0x0] =	vst.idx.msk $0xffff, v48;
	v36 =	vadd.f32 v55, v37;
	v53 =	vor.u32 v53, v63;
	v62 =	vor.u32 s16, v61  }
0xa2: {  	v22 =	vmovc v29;
	v52 =	vld.idx.msk [tilespmem:v57+s24+$0x0], $0xffff;
	v61 =	vand.u32 $0x7, v59;
	v59 =	vmovc v37;
	v63 =	vadd.f32 v38, v26;
	v48 =	vand.u32 $0x38, v62  }
0xa3: {  	v60 =	vshll.u32 v62, $0x7;
	[tilespmem:v41+s1+$0x0] =	vst.idx.msk $0xffff, v36;
	v36 =	vor.u32 v23, v53;
	v55 =	vadd.f32 v49, v16  }
0xa4: {  	v62 =	vor.u32 v4, v60;
	v38 =	vor.u32 v61, v48;
	v37 =	vld.idx.msk [tilespmem:v47+s24+$0x0], $0xffff;
	v47 =	vor.u32 v11, v53  }
0xa5: {  	v29 =	vmovc v34;
	v34 =	vor.u32 v2, v60;
	v48 =	vor.u32 v23, v38;
	v61 =	vor.u32 v11, v38  }
0xa6: {  	v41 =	vmov v62;
	v62 =	vadd.f32 v51, v30;
	v42 =	vor.u32 v9, v38;
	[tilespmem:v43+s1+$0x0] =	vst.idx.msk $0xffff, v63  }
0xa7: {  	v51 =	vor.u32 v0, v31;
	v43 =	vor.u32 v6, v58;
	v49 =	vld.idx.msk [tilespmem:v50+s24+$0x0], $0xffff;
	[tilespmem:v46+s1+$0x0] =	vst.idx.msk $0xffff, v55  }
0xa8: {  	v14 =	vld [tilespmem:$0x1FFB0];
	v46 =	vor.u32 v8, v19;
	v63 =	vadd.f32 v52, v18;
	v52 =	vor.u32 v9, v27  }
0xa9: {  	v35 =	vshll.u32 v35, $0x7;
	[tilespmem:v56+s1+$0x0] =	vst.idx.msk $0xffff, v62;
	v18 =	vmovc v30;
	v30 =	vor.u32 v0, v25;
	v55 =	vlaneseq.u32;
	v45 =	vld.idx.msk [tilespmem:v45+s24+$0x0], $0xffff  }
0xaa: {  	v62 =	vor.u32 v12, v24;
	v54 =	vld.idx.msk [tilespmem:v54+s24+$0x0], $0xffff;
	v0 =	vor.u32 v55, v60;
	v55 =	vor.u32 v55, v35  }
0xab: {  	v36 =	vld.idx.msk [tilespmem:v36+s2+$0x0], $0xffff;
	[tilespmem:v40+s1+$0x0] =	vst.idx.msk $0xffff, v63;
	v40 =	vor.u32 v7, v32;
	v50 =	vadd.f32 v37, v59  }
0xac: {  	v63 =	vor.u32 v15, v21;
	v21 =	vmov v27;
	v57 =	vld.idx.msk [tilespmem:v61+s24+$0x0], $0xffff;
	v49 =	vadd.f32 v49, v26  }
0xad: {  	v27 =	vmov v32;
	v32 =	vmov v53;
	v61 =	vor.u32 v7, v28;
	v37 =	vld.idx.msk [tilespmem:v48+s2+$0x0], $0xffff;
	[tilespmem:v46+s1+$0x0] =	vst.idx.msk $0xffff, v44  }
0xae: {  	v48 =	vor.u32 v14, v20;
	v46 =	vld.idx.msk [tilespmem:v47+s24+$0x0], $0xffff;
	v56 =	vadd.f32 v45, v16;
	[tilespmem:v30+s1+$0x0] =	vst.idx.msk $0xffff, v49  }
0xaf: {  	p2 =	slt.u32 s21, $0x3E;
	[tilespmem:v51+s1+$0x0] =	vst.idx.msk $0xffff, v50;
	v50 =	vor.u32 v10, v19;
	v45 =	vor.u32 v14, v21;
	v1 =	vld.idx.msk [tilespmem:v52+s24+$0x0], $0xffff  }
.Ltmp2:
0xb0: {  	v49 =	vor.u32 v13, v21;
	v44 =	vld.idx.msk [tilespmem:v40+s24+$0x0], $0xffff;
	v40 =	vadd.f32 v54, v18;
	[tilespmem:v39+s1+$0x0] =	vst.idx.msk $0xffff, v56;
	(pc) =	sbr.rel @p2 .LBB2_6-.Ltmp2, $4  }
0xb1: {  	v30 =	vmovc v59;
	v56 =	vor.u32 v3, v38;
	v54 =	vor.u32 v3, v32;
	v39 =	vor.u32 v2, v19  }
0xb2: {  	v51 =	vld.idx.msk [tilespmem:v61+s24+$0x0], $0xffff;
	[tilespmem:v62+s1+$0x0] =	vst.idx.msk $0xffff, v40;
	v62 =	vadd.f32 v57, v37;
	v40 =	vor.u32 v6, v24  }
0xb3: {  	v47 =	vld.idx.msk [tilespmem:v63+s24+$0x0], $0xffff;
	v24 =	vmovc v31;
	v31 =	vmov v60;
	v57 =	vadd.f32 v46, v36;
	v46 =	vor.u32 v12, v19  }
0xb4: {  	v63 =	vlaneseq.u32;
	v48 =	vld.idx.msk [tilespmem:v48+s24+$0x0], $0xffff;
	v52 =	vor.u32 v8, v24;
	[tilespmem:v0+s1+$0x0] =	vst.idx.msk $0xffff, v62;
	v53 =	vadd.f32 v1, v17  }
0xb5: {  	_ =	sdelay $0x3  }
0xb6: {  	[tilespmem:v55+s1+$0x0] =	vst.idx.msk $0xffff, v57;
	v0 =	vld.idx.msk [tilespmem:v56+s24+$0x0], $0xffff  }
0xb7: {  	v1 =	vld.idx.msk [tilespmem:v54+s24+$0x0], $0xffff;
	_ =	sdelay $0x1  }
0xb8: {  	v61 =	vor.u32 v4, v35;
	_ =	sdelay $0x1  }
0xb9: {  	v0 =	vadd.f32 v0, v37  }
0xba: {  	v1 =	vadd.f32 v1, v36  }
0xbb: {  	v23 =	vor.u32 v5, v38;
	[tilespmem:v41+s1+$0x0] =	vst.idx.msk $0xffff, v0  }
0xbc: {  	[tilespmem:v61+s1+$0x0] =	vst.idx.msk $0xffff, v1  }
0xbd: {  	v62 =	vor.u32 v5, v32;
	v14 =	vmov v11;
	v11 =	vld [tilespmem:$0x1FFE0];
	_ =	sdelay $0x2  }
0xbe: {  	v0 =	vld.idx.msk [tilespmem:v23+s24+$0x0], $0xffff;
	_ =	sdelay $0x1  }
0xbf: {  	v1 =	vld.idx.msk [tilespmem:v62+s24+$0x0], $0xffff;
	v23 =	vor.u32 v11, v31  }
0xc0: {  	v58 =	vor.u32 v7, v38  }
0xc1: {  	v57 =	vor.u32 v11, v35  }
0xc2: {  	v0 =	vadd.f32 v0, v37;
	_ =	sdelay $0x1  }
0xc3: {  	v1 =	vadd.f32 v1, v36;
	[tilespmem:v23+s1+$0x0] =	vst.idx.msk $0xffff, v0  }
0xc4: {  	v59 =	vor.u32 v7, v32;
	v0 =	vld.idx.msk [tilespmem:v58+s24+$0x0], $0xffff  }
0xc5: {  	[tilespmem:v57+s1+$0x0] =	vst.idx.msk $0xffff, v1;
	v1 =	vor.u32 v8, v25  }
0xc6: {  	v60 =	vor.u32 v8, v31  }
0xc7: {  	v51 =	vadd.f32 v51, v30  }
0xc8: {  	v44 =	vadd.f32 v44, v26  }
0xc9: {  	[tilespmem:v52+s1+$0x0] =	vst.idx.msk $0xffff, v51;
	v23 =	vld.idx.msk [tilespmem:v59+s24+$0x0], $0xffff;
	v0 =	vadd.f32 v0, v37  }
0xca: {  	v41 =	vor.u32 v9, v27;
	[tilespmem:v1+s1+$0x0] =	vst.idx.msk $0xffff, v44  }
0xcb: {  	v61 =	vor.u32 v8, v35;
	[tilespmem:v60+s1+$0x0] =	vst.idx.msk $0xffff, v0  }
0xcc: {  	v10 =	vld [tilespmem:$0x1FFD0]  }
0xcd: {  	v62 =	vor.u32 v9, v32  }
0xce: {  	v33 =	vld.idx.msk [tilespmem:v33+s24+$0x0], $0xffff;
	v1 =	vadd.f32 v23, v36  }
0xcf: {  	v23 =	vld.idx.msk [tilespmem:v41+s24+$0x0], $0xffff  }
0xd0: {  	v41 =	vld.idx.msk [tilespmem:v42+s24+$0x0], $0xffff;
	[tilespmem:v61+s1+$0x0] =	vst.idx.msk $0xffff, v1  }
0xd1: {  	v13 =	vld [tilespmem:$0x1FFC0];
	v0 =	vor.u32 v10, v24  }
0xd2: {  	v58 =	vld.idx.msk [tilespmem:v62+s24+$0x0], $0xffff;
	v42 =	vor.u32 v10, v25  }
0xd3: {  	v60 =	vor.u32 v10, v31  }
0xd4: {  	v33 =	vadd.f32 v33, v30;
	v62 =	vor.u32 v10, v35  }
0xd5: {  	[tilespmem:v50+s1+$0x0] =	vst.idx.msk $0xffff, v53;
	v23 =	vadd.f32 v23, v26  }
0xd6: {  	[tilespmem:v0+s1+$0x0] =	vst.idx.msk $0xffff, v33;
	v0 =	vadd.f32 v41, v37  }
0xd7: {  	v1 =	vor.u32 v13, v28;
	[tilespmem:v42+s1+$0x0] =	vst.idx.msk $0xffff, v23;
	v23 =	vadd.f32 v58, v36  }
0xd8: {  	v59 =	vor.u32 v13, v27;
	[tilespmem:v60+s1+$0x0] =	vst.idx.msk $0xffff, v0  }
0xd9: {  	v61 =	vor.u32 v13, v38;
	[tilespmem:v62+s1+$0x0] =	vst.idx.msk $0xffff, v23  }
0xda: {  	v57 =	vor.u32 v13, v32;
	v2 =	vld [tilespmem:$0x1FFB0]  }
0xdb: {  	v49 =	vld.idx.msk [tilespmem:v49+s24+$0x0], $0xffff  }
0xdc: {  	v1 =	vld.idx.msk [tilespmem:v1+s24+$0x0], $0xffff  }
0xdd: {  	v58 =	vld.idx.msk [tilespmem:v59+s24+$0x0], $0xffff  }
0xde: {  	v0 =	vor.u32 v12, v24;
	v41 =	vld.idx.msk [tilespmem:v61+s24+$0x0], $0xffff  }
0xdf: {  	v59 =	vor.u32 v12, v25;
	v60 =	vld.idx.msk [tilespmem:v57+s24+$0x0], $0xffff;
	v23 =	vor.u32 v2, v28  }
0xe0: {  	v49 =	vadd.f32 v49, v17;
	v62 =	vor.u32 v12, v31  }
0xe1: {  	v57 =	vor.u32 v12, v35;
	v1 =	vadd.f32 v1, v30  }
0xe2: {  	[tilespmem:v46+s1+$0x0] =	vst.idx.msk $0xffff, v49;
	v33 =	vadd.f32 v58, v26  }
0xe3: {  	[tilespmem:v0+s1+$0x0] =	vst.idx.msk $0xffff, v1;
	v0 =	vadd.f32 v41, v37  }
0xe4: {  	[tilespmem:v59+s1+$0x0] =	vst.idx.msk $0xffff, v33;
	v1 =	vld.idx.msk [tilespmem:v23+s24+$0x0], $0xffff;
	v23 =	vadd.f32 v60, v36  }
0xe5: {  	v61 =	vor.u32 v2, v27;
	[tilespmem:v62+s1+$0x0] =	vst.idx.msk $0xffff, v0  }
0xe6: {  	v56 =	vor.u32 v2, v38;
	[tilespmem:v57+s1+$0x0] =	vst.idx.msk $0xffff, v23  }
0xe7: {  	v58 =	vor.u32 v2, v32;
	v60 =	vld [tilespmem:$0x1FFA0]  }
0xe8: {  	v45 =	vld.idx.msk [tilespmem:v45+s24+$0x0], $0xffff;
	_ =	sdelay $0x1  }
0xe9: {  	v20 =	vor.u32 v15, v20;
	v33 =	vld.idx.msk [tilespmem:v61+s24+$0x0], $0xffff  }
0xea: {  	v21 =	vor.u32 v15, v21;
	v0 =	vadd.f32 v48, v18;
	v59 =	vld.idx.msk [tilespmem:v56+s24+$0x0], $0xffff  }
0xeb: {  	v28 =	vor.u32 v15, v28;
	v62 =	vld.idx.msk [tilespmem:v58+s24+$0x0], $0xffff;
	v23 =	vor.u32 v60, v25  }
0xec: {  	[tilespmem:v22+s1+$0x0] =	vst.idx.msk $0xffff, v0;
	v0 =	vadd.f32 v45, v17;
	v22 =	vor.u32 v15, v27  }
0xed: {  	v45 =	vor.u32 v15, v38;
	v1 =	vadd.f32 v1, v30;
	v27 =	vor.u32 v60, v35  }
0xee: {  	v46 =	vor.u32 v15, v32;
	v20 =	vld.idx.msk [tilespmem:v20+s24+$0x0], $0xffff;
	[tilespmem:v39+s1+$0x0] =	vst.idx.msk $0xffff, v0;
	v0 =	vadd.f32 v33, v26  }
0xef: {  	v21 =	vld.idx.msk [tilespmem:v21+s24+$0x0], $0xffff;
	[tilespmem:v29+s1+$0x0] =	vst.idx.msk $0xffff, v1;
	v1 =	vadd.f32 v59, v37  }
0xf0: {  	v28 =	vld.idx.msk [tilespmem:v28+s24+$0x0], $0xffff;
	[tilespmem:v23+s1+$0x0] =	vst.idx.msk $0xffff, v0;
	v0 =	vadd.f32 v62, v36  }
0xf1: {  	v19 =	vor.u32 v6, v19;
	[tilespmem:v34+s1+$0x0] =	vst.idx.msk $0xffff, v1;
	v22 =	vld.idx.msk [tilespmem:v22+s24+$0x0], $0xffff  }
0xf2: {  	v1 =	vadd.f32 v47, v16;
	v16 =	vor.u32 v6, v24;
	v23 =	vld.idx.msk [tilespmem:v45+s24+$0x0], $0xffff;
	[tilespmem:v27+s1+$0x0] =	vst.idx.msk $0xffff, v0  }
0xf3: {  	v0 =	vadd.f32 v20, v18;
	v18 =	vor.u32 v6, v25;
	v20 =	vld.idx.msk [tilespmem:v46+s24+$0x0], $0xffff  }
0xf4: {  	[tilespmem:v43+s1+$0x0] =	vst.idx.msk $0xffff, v1;
	v1 =	vadd.f32 v21, v17;
	v17 =	vor.u32 v6, v31  }
0xf5: {  	v21 =	vor.u32 v6, v35;
	[tilespmem:v40+s1+$0x0] =	vst.idx.msk $0xffff, v0;
	v0 =	vadd.f32 v28, v30  }
0xf6: {  	[tilespmem:v19+s1+$0x0] =	vst.idx.msk $0xffff, v1;
	v1 =	vadd.f32 v22, v26  }
0xf7: {  	s21 =	sshll.u32 s28, $0x14;
	[tilespmem:v16+s1+$0x0] =	vst.idx.msk $0xffff, v0;
	v0 =	vadd.f32 v23, v37  }
0xf8: {  	s21 =	sor.u32 s5, s21;
	[tilespmem:v18+s1+$0x0] =	vst.idx.msk $0xffff, v1;
	v1 =	vadd.f32 v20, v36  }
0xf9: {  	s21 =	sshrl.u32 s21, $0x3;
	[tilespmem:v17+s1+$0x0] =	vst.idx.msk $0xffff, v0  }
0xfa: {  	s21 =	sadd.s32 s7, s21;
	[tilespmem:v21+s1+$0x0] =	vst.idx.msk $0xffff, v1  }
0xfb: {  	[hbm4b:s21+s23] =	stream.strided.scatter [tilespmem:s1], [sflag:$0x9], $0x2000, s18, s23, $0x38;
	[tilespmem:$0x13400] =	vst v63  }
0xfc: {  	_ =	swait.ge [sflag:s19], $0x2000  }
0xfd: {  	[sflag:s19] =	ssyncset.done $0x0  }
0xfe: {  	s21 =	simm.s32 @!p0 $0x1;
	[sflag:s19] =	ssyncadd.s32 $0xFFFFE000  }
0xff: {  	s22 =	simm.s32 $0x0;
	s16 =	simm.s32 @!p0 $0x3200;
	_ =	swait.ge @!p0 [sflag:s21], $0x80  }
0x100: {  	s13 =	simm.s32 @!p0 $0x3400;
	s12 =	sand.u32 $0xE, s22;
	[sflag:s21] =	ssyncset.done @!p0 $0x0  }
0x101: {  	s14 =	sor.u32 $0x1, s12;
	[sflag:s21] =	ssyncadd.s32 @!p0 $0xFFFFFF80;
	s21 =	simm.s32 @!p0 $0x80  }
0x102: {  	v0 =	vadd.s32 s14, v63;
	[tilespmem:s13], [sflag:$0x5] =	stream.indirect.gather @!p0 [hbm4b:s4+s21], $0x40, s16, s21, $0xb8;
	[tilespmem:$0x13400] =	vst v63  }
0x103: {  	s14 =	sand.u32 $0x30, s22;
	v1 =	vand.u32 $0xF, v0;
	s13 =	rddreg [dreg:$0x8]  }
0x104: {  	v1 =	vor.u32 s14, v1;
	s13 =	sadd.s32 @!p0 s13, s17  }
0x105: {  	v16 =	vadd.s32 s12, v63;
	s12 =	simm.s32 @!p0 $0x0;
	v0 =	vand.u32 $0x7, v0;
	v17 =	vand.u32 $0x38, v1;
	s21 =	sor.u32 $0x1, s25;
	s13 =	sshrl.u32 @!p0 s13, $0x3  }
0x106: {  	v18 =	vand.u32 $0xF, v16;
	v31 =	vor.u32 v0, v17;
	s16 =	simm.s32 @!p0 $0x3280;
	s22 =	sshll.u32 s21, $0x6;
	s13 =	sadd.s32 @!p0 s3, s13  }
0x107: {  	v0 =	vor.u32 s14, v18;
	v17 =	vor.u32 v14, v31;
	v23 =	vmov s22;
	[tilespmem:s16], [sflag:$0x2] =	stream.linear.gather @!p0 [hbm4b:s13+s12], $0x80, $0x38;
	[tilespmem:$0x13400] =	vst v63  }
0x108: {  	v16 =	vand.u32 $0x7, v16;
	v18 =	vand.u32 $0x38, v0;
	v19 =	vor.u32 v23, v31;
	s12 =	simm.s32 @!p1 $0xA  }
0x109: {  	v37 =	vor.u32 v16, v18;
	_ =	swait.ge @!p1 [sflag:s12], $0x2000  }
0x10a: {  	v16 =	vor.u32 v23, v37;
	[sflag:s12] =	ssyncset.done @!p1 $0x0  }
0x10b: {  	v18 =	vor.u32 v14, v37;
	[sflag:s12] =	ssyncadd.s32 @!p1 $0xFFFFE000  }
0x10c: {  	v17 =	vld.idx.msk [tilespmem:v17+s26+$0x0], $0xffff  }
0x10d: {  	v34 =	vld.idx.msk [tilespmem:v19+s2+$0x0], $0xffff  }
0x10e: {  	v32 =	vshll.u32 v1, $0x7  }
0x10f: {  	v1 =	vor.u32 v63, v32;
	v16 =	vld.idx.msk [tilespmem:v16+s2+$0x0], $0xffff  }
0x110: {  	v18 =	vld.idx.msk [tilespmem:v18+s26+$0x0], $0xffff;
	v19 =	vor.u32 v3, v31  }
0x111: {  	v39 =	vshll.u32 v0, $0x7  }
0x112: {  	v0 =	vor.u32 v63, v39;
	v17 =	vadd.f32 v17, v34  }
0x113: {  	v20 =	vor.u32 v3, v37  }
0x114: {  	[tilespmem:v1+s20+$0x0] =	vst.idx.msk $0xffff, v17  }
0x115: {  	s12 =	simm.s32 $0x2;
	v1 =	vadd.f32 v18, v16;
	v17 =	vld.idx.msk [tilespmem:v19+s26+$0x0], $0xffff  }
0x116: {  	v24 =	vor.u32 v5, v31;
	s16 =	sand.u32 $0xE, s12  }
0x117: {  	v27 =	vor.u32 v4, v39;
	s22 =	sor.u32 $0x1, s16;
	v18 =	vor.u32 v4, v32;
	[tilespmem:v0+s20+$0x0] =	vst.idx.msk $0xffff, v1;
	v0 =	vadd.s32 s16, v63  }
0x118: {  	s12 =	sand.u32 $0x30, s12;
	v19 =	vadd.s32 s22, v63;
	v1 =	vor.u32 v5, v37;
	v22 =	vld.idx.msk [tilespmem:v20+s26+$0x0], $0xffff;
	v20 =	vand.u32 $0xF, v0  }
0x119: {  	v21 =	vand.u32 $0xF, v19;
	v0 =	vand.u32 $0x7, v0;
	v25 =	vor.u32 s12, v20  }
0x11a: {  	v26 =	vor.u32 s12, v21;
	v20 =	vand.u32 $0x38, v25;
	v17 =	vadd.f32 v17, v34  }
0x11b: {  	v19 =	vand.u32 $0x7, v19;
	v28 =	vand.u32 $0x38, v26;
	v21 =	vor.u32 v0, v20  }
0x11c: {  	v20 =	vor.u32 v19, v28;
	v0 =	vor.u32 v23, v21;
	[tilespmem:v18+s20+$0x0] =	vst.idx.msk $0xffff, v17  }
0x11d: {  	v19 =	vor.u32 v14, v20;
	v17 =	vadd.f32 v22, v16;
	v18 =	vld.idx.msk [tilespmem:v24+s26+$0x0], $0xffff  }
0x11e: {  	v22 =	vor.u32 v23, v20  }
0x11f: {  	v24 =	vor.u32 v14, v21;
	[tilespmem:v27+s20+$0x0] =	vst.idx.msk $0xffff, v17;
	v27 =	vor.u32 v11, v32  }
0x120: {  	v28 =	vor.u32 v7, v31;
	v1 =	vld.idx.msk [tilespmem:v1+s26+$0x0], $0xffff  }
0x121: {  	v17 =	vld.idx.msk [tilespmem:v0+s2+$0x0], $0xffff  }
0x122: {  	v29 =	vld.idx.msk [tilespmem:v19+s26+$0x0], $0xffff;
	v0 =	vadd.f32 v18, v34  }
0x123: {  	v49 =	vor.u32 v11, v39;
	v18 =	vld.idx.msk [tilespmem:v22+s2+$0x0], $0xffff  }
0x124: {  	v50 =	vor.u32 v7, v37;
	v40 =	vshll.u32 v26, $0x7;
	v24 =	vld.idx.msk [tilespmem:v24+s26+$0x0], $0xffff;
	[tilespmem:v27+s20+$0x0] =	vst.idx.msk $0xffff, v0  }
0x125: {  	v19 =	vshll.u32 v25, $0x7;
	v25 =	vor.u32 v63, v40;
	v26 =	vld.idx.msk [tilespmem:v28+s26+$0x0], $0xffff  }
0x126: {  	v27 =	vor.u32 v63, v19;
	v1 =	vadd.f32 v1, v16;
	v28 =	vor.u32 v3, v20  }
0x127: {  	v35 =	vor.u32 v60, v32;
	v48 =	vor.u32 v8, v32;
	s12 =	simm.s32 $0x4;
	v47 =	vor.u32 v3, v21  }
0x128: {  	s16 =	sand.u32 $0xE, s12;
	v0 =	vor.u32 v9, v31;
	[tilespmem:v49+s20+$0x0] =	vst.idx.msk $0xffff, v1;
	v29 =	vadd.f32 v29, v18  }
0x129: {  	v45 =	vor.u32 v8, v39;
	v62 =	vor.u32 v9, v37;
	s22 =	sor.u32 $0x1, s16;
	v24 =	vadd.f32 v24, v17;
	v42 =	vld.idx.msk [tilespmem:v50+s26+$0x0], $0xffff  }
0x12a: {  	v30 =	vor.u32 v4, v40;
	v52 =	vadd.s32 s22, v63;
	[tilespmem:v25+s20+$0x0] =	vst.idx.msk $0xffff, v29;
	v25 =	vadd.f32 v26, v34  }
0x12b: {  	s12 =	sand.u32 $0x30, s12;
	v51 =	vor.u32 v5, v21;
	v53 =	vand.u32 $0xF, v52;
	[tilespmem:v27+s20+$0x0] =	vst.idx.msk $0xffff, v24;
	v24 =	vld.idx.msk [tilespmem:v28+s26+$0x0], $0xffff  }
0x12c: {  	v54 =	vor.u32 v5, v20;
	v36 =	vor.u32 s12, v53;
	v27 =	vadd.s32 s16, v63;
	v28 =	vld.idx.msk [tilespmem:v47+s26+$0x0], $0xffff;
	[tilespmem:v48+s20+$0x0] =	vst.idx.msk $0xffff, v25  }
0x12d: {  	v56 =	vand.u32 $0x38, v36;
	v55 =	vor.u32 v4, v19;
	v25 =	vand.u32 $0xF, v27;
	v0 =	vld.idx.msk [tilespmem:v0+s26+$0x0], $0xffff  }
0x12e: {  	v29 =	vor.u32 v13, v31;
	v42 =	vadd.f32 v42, v16;
	v25 =	vor.u32 s12, v25  }
0x12f: {  	v26 =	vor.u32 v10, v32;
	v27 =	vand.u32 $0x7, v27;
	v57 =	vand.u32 $0x38, v25  }
0x130: {  	[tilespmem:v45+s20+$0x0] =	vst.idx.msk $0xffff, v42;
	v1 =	vadd.f32 v24, v18;
	v24 =	vand.u32 $0x7, v52;
	v27 =	vor.u32 v27, v57  }
0x131: {  	v58 =	vadd.f32 v28, v17;
	v59 =	vor.u32 v23, v27;
	v28 =	vor.u32 v24, v56  }
0x132: {  	v62 =	vld.idx.msk [tilespmem:v62+s26+$0x0], $0xffff;
	[tilespmem:v30+s20+$0x0] =	vst.idx.msk $0xffff, v1;
	v1 =	vor.u32 v14, v28;
	v0 =	vadd.f32 v0, v34  }
0x133: {  	v46 =	vor.u32 v11, v40;
	v61 =	vor.u32 v23, v28;
	[tilespmem:v55+s20+$0x0] =	vst.idx.msk $0xffff, v58;
	v30 =	vld.idx.msk [tilespmem:v54+s26+$0x0], $0xffff  }
0x134: {  	v38 =	vor.u32 v9, v20;
	v22 =	vor.u32 v60, v40;
	v44 =	vld.idx.msk [tilespmem:v51+s26+$0x0], $0xffff;
	[tilespmem:v26+s20+$0x0] =	vst.idx.msk $0xffff, v0  }
0x135: {  	v49 =	vor.u32 v6, v32;
	v50 =	vor.u32 v11, v19;
	v41 =	vor.u32 v14, v27;
	v56 =	vld.idx.msk [tilespmem:v29+s26+$0x0], $0xffff  }
0x136: {  	v48 =	vor.u32 v10, v39;
	v45 =	vor.u32 v60, v39;
	v57 =	vor.u32 v7, v20;
	v26 =	vld.idx.msk [tilespmem:v59+s2+$0x0], $0xffff  }
0x137: {  	v52 =	vor.u32 v7, v21;
	v24 =	vshll.u32 v36, $0x7;
	v33 =	vor.u32 v9, v28;
	v1 =	vld.idx.msk [tilespmem:v1+s26+$0x0], $0xffff  }
0x138: {  	v58 =	vor.u32 v12, v32;
	v53 =	vor.u32 v63, v24;
	v59 =	vadd.f32 v30, v18;
	v30 =	vld.idx.msk [tilespmem:v61+s2+$0x0], $0xffff  }
0x139: {  	v47 =	vor.u32 v3, v28;
	v54 =	vor.u32 v13, v37;
	v62 =	vadd.f32 v62, v16  }
0x13a: {  	v55 =	vor.u32 v12, v39;
	v51 =	vor.u32 v3, v27;
	v41 =	vld.idx.msk [tilespmem:v41+s26+$0x0], $0xffff;
	v61 =	vor.u32 v2, v31  }
0x13b: {  	v25 =	vshll.u32 v25, $0x7;
	v0 =	vor.u32 v4, v24;
	[tilespmem:v48+s20+$0x0] =	vst.idx.msk $0xffff, v62;
	v42 =	vadd.f32 v44, v17  }
0x13c: {  	[tilespmem:v46+s20+$0x0] =	vst.idx.msk $0xffff, v59;
	v46 =	vor.u32 v63, v25;
	v59 =	vadd.f32 v56, v34  }
0x13d: {  	v29 =	vor.u32 v60, v24;
	[tilespmem:v50+s20+$0x0] =	vst.idx.msk $0xffff, v42;
	v43 =	vld.idx.msk [tilespmem:v57+s26+$0x0], $0xffff;
	v1 =	vadd.f32 v1, v30  }
0x13e: {  	v42 =	vld.idx.msk [tilespmem:v54+s26+$0x0], $0xffff;
	v50 =	vor.u32 v5, v28;
	v54 =	vor.u32 v4, v25;
	[tilespmem:v58+s20+$0x0] =	vst.idx.msk $0xffff, v59  }
0x13f: {  	s22 =	simm.s32 $0x6;
	v36 =	vld.idx.msk [tilespmem:v61+s26+$0x0], $0xffff;
	v61 =	vadd.f32 v41, v26;
	[tilespmem:v53+s20+$0x0] =	vst.idx.msk $0xffff, v1;
	v1 =	vor.u32 v8, v40  }
0x140: {  	s14 =	sand.u32 $0xE, s22;
	v56 =	vor.u32 v2, v37;
	v57 =	vor.u32 v13, v20;
	v53 =	vor.u32 v15, v31  }
0x141: {  	s12 =	sor.u32 $0x1, s14;
	v31 =	vadd.s32 s14, v63;
	v44 =	vld.idx.msk [tilespmem:v47+s26+$0x0], $0xffff;
	v47 =	vor.u32 v10, v40;
	[tilespmem:v46+s20+$0x0] =	vst.idx.msk $0xffff, v61  }
0x142: {  	v46 =	vor.u32 v5, v27;
	v61 =	vadd.f32 v43, v18;
	v43 =	vld.idx.msk [tilespmem:v51+s26+$0x0], $0xffff;
	v51 =	vadd.s32 s12, v63  }
0x143: {  	s16 =	sand.u32 $0x30, s22;
	v48 =	vand.u32 $0x7, v31;
	v31 =	vand.u32 $0xF, v31;
	v62 =	vand.u32 $0xF, v51  }
0x144: {  	v59 =	vand.u32 $0x7, v51;
	v36 =	vadd.f32 v36, v34;
	v41 =	vor.u32 s16, v62;
	[tilespmem:v1+s20+$0x0] =	vst.idx.msk $0xffff, v61  }
0x145: {  	v1 =	vor.u32 s16, v31;
	v31 =	vshll.u32 v41, $0x7;
	v62 =	vand.u32 $0x38, v41;
	v58 =	vld.idx.msk [tilespmem:v38+s26+$0x0], $0xffff  }
0x146: {  	[tilespmem:v35+s20+$0x0] =	vst.idx.msk $0xffff, v36;
	v35 =	vadd.f32 v44, v30;
	v61 =	vand.u32 $0x38, v1;
	v41 =	vor.u32 v4, v31  }
0x147: {  	v38 =	vor.u32 v59, v62;
	v44 =	vld.idx.msk [tilespmem:v53+s26+$0x0], $0xffff;
	v32 =	vor.u32 v48, v61;
	v43 =	vadd.f32 v43, v26  }
0x148: {  	v48 =	vld.idx.msk [tilespmem:v52+s26+$0x0], $0xffff;
	v61 =	vadd.f32 v42, v16;
	v52 =	vor.u32 v23, v38;
	v62 =	vor.u32 v14, v38  }
0x149: {  	v53 =	vor.u32 v8, v19;
	[tilespmem:v0+s20+$0x0] =	vst.idx.msk $0xffff, v35;
	v0 =	vor.u32 v23, v32  }
0x14a: {  	v42 =	vor.u32 v9, v38;
	v51 =	vor.u32 v14, v32;
	v50 =	vld.idx.msk [tilespmem:v50+s26+$0x0], $0xffff;
	[tilespmem:v54+s20+$0x0] =	vst.idx.msk $0xffff, v43  }
0x14b: {  	v35 =	vshll.u32 v1, $0x7;
	v1 =	vor.u32 v9, v21;
	[tilespmem:v55+s20+$0x0] =	vst.idx.msk $0xffff, v61;
	v46 =	vld.idx.msk [tilespmem:v46+s26+$0x0], $0xffff  }
0x14c: {  	v55 =	vor.u32 v11, v24;
	v43 =	vor.u32 v6, v39;
	v54 =	vld.idx.msk [tilespmem:v56+s26+$0x0], $0xffff;
	v59 =	vadd.f32 v58, v18  }
0x14d: {  	v39 =	vor.u32 v60, v19;
	v44 =	vadd.f32 v44, v34;
	v34 =	vor.u32 v60, v31;
	v58 =	vld.idx.msk [tilespmem:v62+s26+$0x0], $0xffff  }
0x14e: {  	[tilespmem:v47+s20+$0x0] =	vst.idx.msk $0xffff, v59;
	v47 =	vor.u32 v11, v25;
	v36 =	vld.idx.msk [tilespmem:v0+s2+$0x0], $0xffff;
	v0 =	vor.u32 v7, v27  }
0x14f: {  	v59 =	vor.u32 v12, v40;
	v40 =	vor.u32 v6, v40;
	v56 =	vld.idx.msk [tilespmem:v57+s26+$0x0], $0xffff;
	[tilespmem:v49+s20+$0x0] =	vst.idx.msk $0xffff, v44  }
0x150: {  	v44 =	vadd.f32 v48, v17;
	v62 =	vadd.f32 v46, v26;
	v46 =	vor.u32 v15, v37;
	v37 =	vld.idx.msk [tilespmem:v52+s2+$0x0], $0xffff  }
0x151: {  	v61 =	vadd.f32 v50, v30;
	v57 =	vor.u32 v7, v28;
	v50 =	vor.u32 v10, v19  }
0x152: {  	v48 =	vld.idx.msk [tilespmem:v51+s26+$0x0], $0xffff;
	v49 =	vor.u32 v13, v21;
	v52 =	vor.u32 v63, v31;
	[tilespmem:v53+s20+$0x0] =	vst.idx.msk $0xffff, v44  }
0x153: {  	[tilespmem:v55+s20+$0x0] =	vst.idx.msk $0xffff, v61;
	v44 =	vadd.f32 v54, v16;
	v61 =	vor.u32 v2, v20;
	v1 =	vld.idx.msk [tilespmem:v1+s26+$0x0], $0xffff  }
0x154: {  	v60 =	vmov v14;
	v55 =	vor.u32 v63, v35;
	[tilespmem:v47+s20+$0x0] =	vst.idx.msk $0xffff, v62;
	v62 =	vadd.f32 v56, v18  }
0x155: {  	v54 =	vor.u32 v3, v32;
	[tilespmem:v45+s20+$0x0] =	vst.idx.msk $0xffff, v44;
	v44 =	vld.idx.msk [tilespmem:v0+s26+$0x0], $0xffff;
	v0 =	vadd.f32 v58, v37  }
0x156: {  	v45 =	vor.u32 v2, v21;
	v56 =	vor.u32 v3, v38;
	v51 =	vld.idx.msk [tilespmem:v57+s26+$0x0], $0xffff;
	[tilespmem:v59+s20+$0x0] =	vst.idx.msk $0xffff, v62  }
0x157: {  	v57 =	vadd.f32 v48, v36;
	v47 =	vld.idx.msk [tilespmem:v46+s26+$0x0], $0xffff;
	v46 =	vor.u32 v12, v19;
	[tilespmem:v52+s20+$0x0] =	vst.idx.msk $0xffff, v0  }
0x158: {  	v48 =	vld.idx.msk [tilespmem:v61+s26+$0x0], $0xffff;
	v52 =	vor.u32 v8, v24;
	v53 =	vadd.f32 v1, v17;
	v61 =	vmovc v4;
	v62 =	vmov v5  }
.LBB2_8:
0x159: {  	v11 =	vld [tilespmem:$0x1FFD0]  }
0x15a: {  	v10 =	vld [tilespmem:$0x1FFC0]  }
0x15b: {  	v0 =	vld.idx.msk [tilespmem:v56+s26+$0x0], $0xffff;
	v56 =	vmov v19;
	v19 =	vmov v25  }
0x15c: {  	s22 =	sadd.s32 $0x2, s22;
	v25 =	vmovc v35;
	[tilespmem:v55+s20+$0x0] =	vst.idx.msk $0xffff, v57;
	v55 =	vor.u32 v15, v20;
	v20 =	vmov v28;
	v28 =	vmov v38  }
0x15d: {  	s12 =	sand.u32 $0xE, s22;
	v38 =	vld.idx.msk [tilespmem:v54+s26+$0x0], $0xffff;
	[tilespmem:v50+s20+$0x0] =	vst.idx.msk $0xffff, v53;
	v50 =	vor.u32 v62, v32;
	v51 =	vadd.f32 v51, v30  }
0x15e: {  	v4 =	vmovc v61;
	v49 =	vld.idx.msk [tilespmem:v49+s26+$0x0], $0xffff;
	v48 =	vadd.f32 v48, v18;
	v35 =	vadd.f32 v47, v16;
	v47 =	vadd.s32 s12, v63  }
0x15f: {  	s12 =	sor.u32 $0x1, s12;
	v16 =	vmovc v17;
	v17 =	vmovc v26;
	v1 =	vor.u32 v11, v24;
	v54 =	vor.u32 v10, v20;
	v53 =	vand.u32 $0x7, v47  }
0x160: {  	v14 =	vld [tilespmem:$0x1FFA0];
	s16 =	sand.u32 $0x30, s22;
	[tilespmem:v52+s20+$0x0] =	vst.idx.msk $0xffff, v51;
	v26 =	vmovc v36;
	v57 =	vadd.s32 s12, v63;
	v58 =	vand.u32 $0xF, v47;
	v47 =	vor.u32 v62, v28  }
0x161: {  	v51 =	vld.idx.msk [tilespmem:v33+s26+$0x0], $0xffff;
	v0 =	vadd.f32 v0, v37;
	[tilespmem:v43+s20+$0x0] =	vst.idx.msk $0xffff, v35;
	v59 =	vand.u32 $0xF, v57;
	v35 =	vor.u32 s16, v58  }
0x162: {  	[tilespmem:v22+s20+$0x0] =	vst.idx.msk $0xffff, v48;
	v33 =	vmovc v42;
	v43 =	vor.u32 v61, v25;
	v58 =	vor.u32 s16, v59;
	v42 =	vand.u32 $0x38, v35  }
0x163: {  	v5 =	vmovc v62;
	v22 =	vmovc v29;
	v36 =	vld.idx.msk [tilespmem:v55+s26+$0x0], $0xffff;
	v59 =	vadd.f32 v38, v26;
	v48 =	vand.u32 $0x38, v58;
	v58 =	vshll.u32 v58, $0x7  }
0x164: {  	v52 =	vand.u32 $0x7, v57;
	[tilespmem:v41+s20+$0x0] =	vst.idx.msk $0xffff, v0;
	v53 =	vor.u32 v53, v42;
	v55 =	vor.u32 v61, v58  }
0x165: {  	v2 =	vld [tilespmem:$0x1FFE0];
	v29 =	vmovc v34;
	v0 =	vor.u32 v23, v53;
	v38 =	vor.u32 v52, v48;
	v52 =	vadd.f32 v49, v16  }
0x166: {  	v57 =	vmovc v37;
	v34 =	vor.u32 v14, v58;
	v61 =	vor.u32 v12, v24;
	v62 =	vor.u32 v63, v58  }
0x167: {  	v37 =	vld.idx.msk [tilespmem:v47+s26+$0x0], $0xffff;
	v47 =	vor.u32 v60, v53;
	v48 =	vor.u32 v23, v38;
	[tilespmem:v43+s20+$0x0] =	vst.idx.msk $0xffff, v59  }
0x168: {  	v42 =	vor.u32 v9, v38;
	v43 =	vor.u32 v60, v38;
	v59 =	vadd.f32 v51, v30;
	v49 =	vld.idx.msk [tilespmem:v50+s26+$0x0], $0xffff  }
0x169: {  	v13 =	vld [tilespmem:$0x1FFB0];
	v35 =	vshll.u32 v35, $0x7;
	v36 =	vadd.f32 v36, v18;
	[tilespmem:v46+s20+$0x0] =	vst.idx.msk $0xffff, v52;
	v46 =	vor.u32 v8, v19  }
0x16a: {  	v51 =	vor.u32 v9, v27;
	v45 =	vld.idx.msk [tilespmem:v45+s26+$0x0], $0xffff;
	[tilespmem:v1+s20+$0x0] =	vst.idx.msk $0xffff, v59;
	v1 =	vor.u32 v2, v25  }
0x16b: {  	v18 =	vmovc v30;
	v50 =	vor.u32 v2, v31;
	v2 =	vmov v60;
	v60 =	vor.u32 v7, v28;
	v52 =	vld.idx.msk [tilespmem:v54+s26+$0x0], $0xffff  }
0x16c: {  	[tilespmem:v40+s20+$0x0] =	vst.idx.msk $0xffff, v36;
	v36 =	vld.idx.msk [tilespmem:v0+s2+$0x0], $0xffff;
	v0 =	vor.u32 v7, v32;
	v40 =	vadd.f32 v44, v17  }
0x16d: {  	v54 =	vor.u32 v15, v21;
	v30 =	vadd.f32 v37, v57;
	v37 =	vld.idx.msk [tilespmem:v48+s2+$0x0], $0xffff;
	v49 =	vadd.f32 v49, v26  }
0x16e: {  	v41 =	vmovc v55;
	v21 =	vmov v27;
	v27 =	vmov v32;
	v32 =	vmov v53;
	v59 =	vld.idx.msk [tilespmem:v43+s26+$0x0], $0xffff;
	[tilespmem:v46+s20+$0x0] =	vst.idx.msk $0xffff, v40  }
0x16f: {  	v43 =	vor.u32 v6, v56;
	v40 =	vor.u32 v13, v20;
	v46 =	vld.idx.msk [tilespmem:v47+s26+$0x0], $0xffff;
	[tilespmem:v1+s20+$0x0] =	vst.idx.msk $0xffff, v49  }
0x170: {  	v56 =	vor.u32 v3, v38;
	[tilespmem:v50+s20+$0x0] =	vst.idx.msk $0xffff, v30;
	v55 =	vadd.f32 v45, v16;
	v1 =	vld.idx.msk [tilespmem:v51+s26+$0x0], $0xffff  }
0x171: {  	p2 =	slt.u32 s22, $0x3E;
	v50 =	vor.u32 v11, v19;
	v45 =	vor.u32 v13, v21;
	v44 =	vld.idx.msk [tilespmem:v0+s26+$0x0], $0xffff;
	v0 =	vadd.f32 v52, v18  }
.Ltmp3:
0x172: {  	v49 =	vor.u32 v10, v21;
	[tilespmem:v39+s20+$0x0] =	vst.idx.msk $0xffff, v55;
	v55 =	vor.u32 v63, v35;
	v51 =	vld.idx.msk [tilespmem:v60+s26+$0x0], $0xffff;
	(pc) =	sbr.rel @p2 .LBB2_8-.Ltmp3, $4  }
0x173: {  	v30 =	vmov v57;
	v60 =	vmov v2;
	v39 =	vor.u32 v14, v19;
	v47 =	vld.idx.msk [tilespmem:v54+s26+$0x0], $0xffff;
	[tilespmem:v61+s20+$0x0] =	vst.idx.msk $0xffff, v0  }
0x174: {  	v54 =	vor.u32 v3, v32;
	v0 =	vadd.f32 v59, v37;
	v48 =	vld.idx.msk [tilespmem:v40+s26+$0x0], $0xffff;
	v40 =	vor.u32 v6, v24  }
0x175: {  	v61 =	vmovc v4;
	v57 =	vadd.f32 v46, v36;
	v46 =	vor.u32 v12, v19;
	v24 =	vmovc v31;
	v31 =	vmov v58  }
0x176: {  	[tilespmem:v62+s20+$0x0] =	vst.idx.msk $0xffff, v0;
	v62 =	vmov v5;
	v52 =	vor.u32 v8, v24;
	v53 =	vadd.f32 v1, v17  }
0x177: {  	_ =	sdelay $0x3  }
0x178: {  	[tilespmem:v55+s20+$0x0] =	vst.idx.msk $0xffff, v57;
	v0 =	vld.idx.msk [tilespmem:v56+s26+$0x0], $0xffff  }
0x179: {  	v1 =	vld.idx.msk [tilespmem:v54+s26+$0x0], $0xffff;
	_ =	sdelay $0x1  }
0x17a: {  	v59 =	vor.u32 v61, v35;
	_ =	sdelay $0x1  }
0x17b: {  	v0 =	vadd.f32 v0, v37  }
0x17c: {  	v1 =	vadd.f32 v1, v36  }
0x17d: {  	v23 =	vor.u32 v62, v38;
	[tilespmem:v41+s20+$0x0] =	vst.idx.msk $0xffff, v0  }
0x17e: {  	[tilespmem:v59+s20+$0x0] =	vst.idx.msk $0xffff, v1  }
0x17f: {  	v57 =	vor.u32 v62, v32;
	v11 =	vld [tilespmem:$0x1FFE0];
	_ =	sdelay $0x2  }
0x180: {  	v0 =	vld.idx.msk [tilespmem:v23+s26+$0x0], $0xffff;
	_ =	sdelay $0x1  }
0x181: {  	v1 =	vld.idx.msk [tilespmem:v57+s26+$0x0], $0xffff;
	v23 =	vor.u32 v11, v31  }
0x182: {  	v59 =	vor.u32 v7, v38  }
0x183: {  	v58 =	vor.u32 v11, v35  }
0x184: {  	v0 =	vadd.f32 v0, v37;
	_ =	sdelay $0x1  }
0x185: {  	v1 =	vadd.f32 v1, v36;
	[tilespmem:v23+s20+$0x0] =	vst.idx.msk $0xffff, v0  }
0x186: {  	v57 =	vor.u32 v7, v32;
	v0 =	vld.idx.msk [tilespmem:v59+s26+$0x0], $0xffff  }
0x187: {  	[tilespmem:v58+s20+$0x0] =	vst.idx.msk $0xffff, v1;
	v1 =	vor.u32 v8, v25  }
0x188: {  	v54 =	vor.u32 v8, v31  }
0x189: {  	v51 =	vadd.f32 v51, v30  }
0x18a: {  	v44 =	vadd.f32 v44, v26  }
0x18b: {  	[tilespmem:v52+s20+$0x0] =	vst.idx.msk $0xffff, v51;
	v23 =	vld.idx.msk [tilespmem:v57+s26+$0x0], $0xffff;
	v0 =	vadd.f32 v0, v37  }
0x18c: {  	v41 =	vor.u32 v9, v27;
	[tilespmem:v1+s20+$0x0] =	vst.idx.msk $0xffff, v44  }
0x18d: {  	v55 =	vor.u32 v8, v35;
	[tilespmem:v54+s20+$0x0] =	vst.idx.msk $0xffff, v0  }
0x18e: {  	v10 =	vld [tilespmem:$0x1FFD0]  }
0x18f: {  	v56 =	vor.u32 v9, v32  }
0x190: {  	v33 =	vld.idx.msk [tilespmem:v33+s26+$0x0], $0xffff;
	v1 =	vadd.f32 v23, v36  }
0x191: {  	v23 =	vld.idx.msk [tilespmem:v41+s26+$0x0], $0xffff  }
0x192: {  	v41 =	vld.idx.msk [tilespmem:v42+s26+$0x0], $0xffff;
	[tilespmem:v55+s20+$0x0] =	vst.idx.msk $0xffff, v1  }
0x193: {  	v13 =	vld [tilespmem:$0x1FFC0];
	v0 =	vor.u32 v10, v24  }
0x194: {  	v44 =	vld.idx.msk [tilespmem:v56+s26+$0x0], $0xffff;
	v42 =	vor.u32 v10, v25  }
0x195: {  	v52 =	vor.u32 v10, v31  }
0x196: {  	v33 =	vadd.f32 v33, v30;
	v55 =	vor.u32 v10, v35  }
0x197: {  	[tilespmem:v50+s20+$0x0] =	vst.idx.msk $0xffff, v53;
	v23 =	vadd.f32 v23, v26  }
0x198: {  	[tilespmem:v0+s20+$0x0] =	vst.idx.msk $0xffff, v33;
	v0 =	vadd.f32 v41, v37  }
0x199: {  	v1 =	vor.u32 v13, v28;
	[tilespmem:v42+s20+$0x0] =	vst.idx.msk $0xffff, v23;
	v23 =	vadd.f32 v44, v36  }
0x19a: {  	v51 =	vor.u32 v13, v27;
	[tilespmem:v52+s20+$0x0] =	vst.idx.msk $0xffff, v0  }
0x19b: {  	v54 =	vor.u32 v13, v38;
	[tilespmem:v55+s20+$0x0] =	vst.idx.msk $0xffff, v23  }
0x19c: {  	v58 =	vor.u32 v13, v32;
	v14 =	vld [tilespmem:$0x1FFB0]  }
0x19d: {  	v49 =	vld.idx.msk [tilespmem:v49+s26+$0x0], $0xffff  }
0x19e: {  	v1 =	vld.idx.msk [tilespmem:v1+s26+$0x0], $0xffff  }
0x19f: {  	v59 =	vld.idx.msk [tilespmem:v51+s26+$0x0], $0xffff  }
0x1a0: {  	v0 =	vor.u32 v12, v24;
	v41 =	vld.idx.msk [tilespmem:v54+s26+$0x0], $0xffff  }
0x1a1: {  	v42 =	vor.u32 v12, v25;
	v44 =	vld.idx.msk [tilespmem:v58+s26+$0x0], $0xffff;
	v23 =	vor.u32 v14, v28  }
0x1a2: {  	v49 =	vadd.f32 v49, v17;
	v51 =	vor.u32 v12, v31  }
0x1a3: {  	v58 =	vor.u32 v12, v35;
	v1 =	vadd.f32 v1, v30  }
0x1a4: {  	[tilespmem:v46+s20+$0x0] =	vst.idx.msk $0xffff, v49;
	v33 =	vadd.f32 v59, v26  }
0x1a5: {  	[tilespmem:v0+s20+$0x0] =	vst.idx.msk $0xffff, v1;
	v0 =	vadd.f32 v41, v37  }
0x1a6: {  	[tilespmem:v42+s20+$0x0] =	vst.idx.msk $0xffff, v33;
	v1 =	vld.idx.msk [tilespmem:v23+s26+$0x0], $0xffff;
	v23 =	vadd.f32 v44, v36  }
0x1a7: {  	v50 =	vor.u32 v14, v27;
	[tilespmem:v51+s20+$0x0] =	vst.idx.msk $0xffff, v0  }
0x1a8: {  	v57 =	vor.u32 v14, v38;
	[tilespmem:v58+s20+$0x0] =	vst.idx.msk $0xffff, v23  }
0x1a9: {  	v56 =	vmov v10;
	v59 =	vor.u32 v14, v32;
	v10 =	vld [tilespmem:$0x1FFA0]  }
0x1aa: {  	v45 =	vld.idx.msk [tilespmem:v45+s26+$0x0], $0xffff;
	_ =	sdelay $0x1  }
0x1ab: {  	v20 =	vor.u32 v15, v20;
	v33 =	vld.idx.msk [tilespmem:v50+s26+$0x0], $0xffff  }
0x1ac: {  	v21 =	vor.u32 v15, v21;
	v0 =	vadd.f32 v48, v18;
	v49 =	vld.idx.msk [tilespmem:v57+s26+$0x0], $0xffff  }
0x1ad: {  	v28 =	vor.u32 v15, v28;
	v50 =	vld.idx.msk [tilespmem:v59+s26+$0x0], $0xffff;
	v23 =	vor.u32 v10, v25  }
0x1ae: {  	[tilespmem:v22+s20+$0x0] =	vst.idx.msk $0xffff, v0;
	v0 =	vadd.f32 v45, v17;
	v22 =	vor.u32 v15, v27  }
0x1af: {  	v51 =	vor.u32 v15, v38;
	v1 =	vadd.f32 v1, v30;
	v27 =	vor.u32 v10, v35  }
0x1b0: {  	v52 =	vor.u32 v15, v32;
	v20 =	vld.idx.msk [tilespmem:v20+s26+$0x0], $0xffff;
	[tilespmem:v39+s20+$0x0] =	vst.idx.msk $0xffff, v0;
	v0 =	vadd.f32 v33, v26  }
0x1b1: {  	v21 =	vld.idx.msk [tilespmem:v21+s26+$0x0], $0xffff;
	[tilespmem:v29+s20+$0x0] =	vst.idx.msk $0xffff, v1;
	v1 =	vadd.f32 v49, v37  }
0x1b2: {  	v28 =	vld.idx.msk [tilespmem:v28+s26+$0x0], $0xffff;
	[tilespmem:v23+s20+$0x0] =	vst.idx.msk $0xffff, v0;
	v0 =	vadd.f32 v50, v36  }
0x1b3: {  	v19 =	vor.u32 v6, v19;
	[tilespmem:v34+s20+$0x0] =	vst.idx.msk $0xffff, v1;
	v22 =	vld.idx.msk [tilespmem:v22+s26+$0x0], $0xffff  }
0x1b4: {  	v1 =	vadd.f32 v47, v16;
	v16 =	vor.u32 v6, v24;
	v23 =	vld.idx.msk [tilespmem:v51+s26+$0x0], $0xffff;
	[tilespmem:v27+s20+$0x0] =	vst.idx.msk $0xffff, v0  }
0x1b5: {  	v0 =	vadd.f32 v20, v18;
	v18 =	vor.u32 v6, v25;
	v20 =	vld.idx.msk [tilespmem:v52+s26+$0x0], $0xffff  }
0x1b6: {  	[tilespmem:v43+s20+$0x0] =	vst.idx.msk $0xffff, v1;
	v1 =	vadd.f32 v21, v17;
	v17 =	vor.u32 v6, v31  }
0x1b7: {  	v21 =	vor.u32 v6, v35;
	[tilespmem:v40+s20+$0x0] =	vst.idx.msk $0xffff, v0;
	v0 =	vadd.f32 v28, v30  }
0x1b8: {  	[tilespmem:v19+s20+$0x0] =	vst.idx.msk $0xffff, v1;
	v1 =	vadd.f32 v22, v26  }
0x1b9: {  	s12 =	sshll.u32 s21, $0x12;
	[tilespmem:v16+s20+$0x0] =	vst.idx.msk $0xffff, v0;
	v0 =	vadd.f32 v23, v37  }
0x1ba: {  	s12 =	sor.u32 s5, s12;
	[tilespmem:v18+s20+$0x0] =	vst.idx.msk $0xffff, v1;
	v1 =	vadd.f32 v20, v36  }
0x1bb: {  	s12 =	sshrl.u32 s12, $0x3;
	[tilespmem:v17+s20+$0x0] =	vst.idx.msk $0xffff, v0  }
0x1bc: {  	s12 =	sadd.s32 s7, s12;
	[tilespmem:v21+s20+$0x0] =	vst.idx.msk $0xffff, v1  }
0x1bd: {  	[hbm4b:s12+s23] =	stream.strided.scatter [tilespmem:s20], [sflag:$0xA], $0x2000, s18, s23, $0x38;
	[tilespmem:$0x13400] =	vst v63  }
0x1be: {  	_ =	swait.ge [sflag:s6], $0x2000  }
0x1bf: {  	[sflag:s6] =	ssyncset.done $0x0  }
0x1c0: {  	s12 =	simm.s32 @!p0 $0x2;
	[sflag:s6] =	ssyncadd.s32 $0xFFFFE000  }
0x1c1: {  	s13 =	simm.s32 $0x0;
	s16 =	simm.s32 @!p0 $0x3280;
	_ =	swait.ge @!p0 [sflag:s12], $0x80  }
0x1c2: {  	s21 =	simm.s32 @!p0 $0x5400;
	s14 =	sand.u32 $0xE, s13;
	[sflag:s12] =	ssyncset.done @!p0 $0x0  }
0x1c3: {  	s22 =	sor.u32 $0x1, s14;
	[sflag:s12] =	ssyncadd.s32 @!p0 $0xFFFFFF80;
	s12 =	simm.s32 @!p0 $0x80  }
0x1c4: {  	v0 =	vadd.s32 s22, v63;
	[tilespmem:s21], [sflag:$0x6] =	stream.indirect.gather @!p0 [hbm4b:s4+s12], $0x40, s16, s12, $0xb8;
	[tilespmem:$0x13400] =	vst v63  }
0x1c5: {  	s13 =	sand.u32 $0x30, s13;
	v1 =	vand.u32 $0xF, v0;
	s12 =	rddreg [dreg:$0x9]  }
0x1c6: {  	v1 =	vor.u32 s13, v1;
	s12 =	sadd.s32 @!p0 s12, s17  }
0x1c7: {  	v16 =	vadd.s32 s14, v63;
	s14 =	simm.s32 @!p0 $0x0;
	v0 =	vand.u32 $0x7, v0;
	v17 =	vand.u32 $0x38, v1;
	s21 =	sor.u32 $0x2, s25;
	s12 =	sshrl.u32 @!p0 s12, $0x3  }
0x1c8: {  	v18 =	vand.u32 $0xF, v16;
	v31 =	vor.u32 v0, v17;
	s16 =	simm.s32 @!p0 $0x3300;
	s25 =	sshll.u32 s21, $0x6;
	s12 =	sadd.s32 @!p0 s3, s12  }
0x1c9: {  	v0 =	vor.u32 s13, v18;
	v17 =	vor.u32 v60, v31;
	v23 =	vmov s25;
	[tilespmem:s16], [sflag:$0x3] =	stream.linear.gather @!p0 [hbm4b:s12+s14], $0x80, $0x38;
	[tilespmem:$0x13400] =	vst v63  }
0x1ca: {  	v16 =	vand.u32 $0x7, v16;
	v18 =	vand.u32 $0x38, v0;
	v19 =	vor.u32 v23, v31;
	s12 =	simm.s32 @!p1 $0xB  }
0x1cb: {  	v37 =	vor.u32 v16, v18;
	_ =	swait.ge @!p1 [sflag:s12], $0x2000  }
0x1cc: {  	v16 =	vor.u32 v23, v37;
	[sflag:s12] =	ssyncset.done @!p1 $0x0  }
0x1cd: {  	v18 =	vor.u32 v60, v37;
	[sflag:s12] =	ssyncadd.s32 @!p1 $0xFFFFE000  }
0x1ce: {  	v17 =	vld.idx.msk [tilespmem:v17+s29+$0x0], $0xffff  }
0x1cf: {  	v34 =	vld.idx.msk [tilespmem:v19+s2+$0x0], $0xffff  }
0x1d0: {  	v32 =	vshll.u32 v1, $0x7  }
0x1d1: {  	v1 =	vor.u32 v63, v32;
	v16 =	vld.idx.msk [tilespmem:v16+s2+$0x0], $0xffff  }
0x1d2: {  	v18 =	vld.idx.msk [tilespmem:v18+s29+$0x0], $0xffff;
	v19 =	vor.u32 v3, v31  }
0x1d3: {  	v39 =	vshll.u32 v0, $0x7  }
0x1d4: {  	v0 =	vor.u32 v63, v39;
	v17 =	vadd.f32 v17, v34  }
0x1d5: {  	v20 =	vor.u32 v3, v37  }
0x1d6: {  	[tilespmem:v1+s9+$0x0] =	vst.idx.msk $0xffff, v17  }
0x1d7: {  	s16 =	simm.s32 $0x2;
	v1 =	vadd.f32 v18, v16;
	v17 =	vld.idx.msk [tilespmem:v19+s29+$0x0], $0xffff  }
0x1d8: {  	s22 =	sand.u32 $0xE, s16  }
0x1d9: {  	v24 =	vor.u32 v62, v31;
	s25 =	sor.u32 $0x1, s22;
	v18 =	vor.u32 v61, v32;
	[tilespmem:v0+s9+$0x0] =	vst.idx.msk $0xffff, v1;
	v0 =	vadd.s32 s22, v63  }
0x1da: {  	v27 =	vor.u32 v61, v39;
	s12 =	sand.u32 $0x30, s16;
	v19 =	vadd.s32 s25, v63;
	v22 =	vld.idx.msk [tilespmem:v20+s29+$0x0], $0xffff;
	v20 =	vand.u32 $0xF, v0  }
0x1db: {  	v21 =	vand.u32 $0xF, v19;
	v0 =	vand.u32 $0x7, v0;
	v25 =	vor.u32 s12, v20  }
0x1dc: {  	v26 =	vor.u32 s12, v21;
	v20 =	vand.u32 $0x38, v25;
	v17 =	vadd.f32 v17, v34  }
0x1dd: {  	v19 =	vand.u32 $0x7, v19;
	v28 =	vand.u32 $0x38, v26;
	v21 =	vor.u32 v0, v20  }
0x1de: {  	v20 =	vor.u32 v19, v28;
	v0 =	vor.u32 v23, v21;
	[tilespmem:v18+s9+$0x0] =	vst.idx.msk $0xffff, v17  }
0x1df: {  	v19 =	vor.u32 v60, v20;
	v17 =	vadd.f32 v22, v16;
	v18 =	vld.idx.msk [tilespmem:v24+s29+$0x0], $0xffff  }
0x1e0: {  	v22 =	vor.u32 v23, v20  }
0x1e1: {  	v24 =	vor.u32 v60, v21;
	[tilespmem:v27+s9+$0x0] =	vst.idx.msk $0xffff, v17;
	v27 =	vor.u32 v11, v32  }
0x1e2: {  	v28 =	vor.u32 v7, v31  }
0x1e3: {  	v17 =	vld.idx.msk [tilespmem:v0+s2+$0x0], $0xffff  }
0x1e4: {  	v29 =	vld.idx.msk [tilespmem:v19+s29+$0x0], $0xffff;
	v0 =	vadd.f32 v18, v34  }
0x1e5: {  	v18 =	vld.idx.msk [tilespmem:v22+s2+$0x0], $0xffff  }
0x1e6: {  	v1 =	vor.u32 v62, v37;
	v40 =	vshll.u32 v26, $0x7;
	v24 =	vld.idx.msk [tilespmem:v24+s29+$0x0], $0xffff;
	[tilespmem:v27+s9+$0x0] =	vst.idx.msk $0xffff, v0  }
0x1e7: {  	v19 =	vshll.u32 v25, $0x7;
	v25 =	vor.u32 v63, v40;
	v26 =	vld.idx.msk [tilespmem:v28+s29+$0x0], $0xffff  }
0x1e8: {  	v27 =	vor.u32 v63, v19;
	v28 =	vor.u32 v3, v20  }
0x1e9: {  	v54 =	vor.u32 v8, v32;
	s16 =	simm.s32 $0x4;
	v53 =	vor.u32 v3, v21  }
0x1ea: {  	s22 =	sand.u32 $0xE, s16;
	v0 =	vor.u32 v9, v31;
	v29 =	vadd.f32 v29, v18  }
0x1eb: {  	s25 =	sor.u32 $0x1, s22;
	v1 =	vld.idx.msk [tilespmem:v1+s29+$0x0], $0xffff;
	v24 =	vadd.f32 v24, v17  }
0x1ec: {  	v55 =	vor.u32 v11, v39;
	v59 =	vadd.s32 s25, v63;
	[tilespmem:v25+s9+$0x0] =	vst.idx.msk $0xffff, v29;
	v25 =	vadd.f32 v26, v34  }
0x1ed: {  	v57 =	vor.u32 v7, v37;
	s12 =	sand.u32 $0x30, s16;
	v48 =	vand.u32 $0xF, v59;
	[tilespmem:v27+s9+$0x0] =	vst.idx.msk $0xffff, v24;
	v24 =	vld.idx.msk [tilespmem:v28+s29+$0x0], $0xffff  }
0x1ee: {  	v30 =	vor.u32 v61, v40;
	v36 =	vor.u32 s12, v48;
	v28 =	vld.idx.msk [tilespmem:v53+s29+$0x0], $0xffff;
	[tilespmem:v54+s9+$0x0] =	vst.idx.msk $0xffff, v25  }
0x1ef: {  	v58 =	vor.u32 v62, v21;
	v49 =	vor.u32 v62, v20;
	v51 =	vand.u32 $0x38, v36;
	v0 =	vld.idx.msk [tilespmem:v0+s29+$0x0], $0xffff  }
0x1f0: {  	v50 =	vor.u32 v61, v19;
	v1 =	vadd.f32 v1, v16;
	v27 =	vadd.s32 s22, v63  }
0x1f1: {  	v29 =	vor.u32 v13, v31;
	v26 =	vor.u32 v56, v32;
	v25 =	vand.u32 $0xF, v27  }
0x1f2: {  	[tilespmem:v55+s9+$0x0] =	vst.idx.msk $0xffff, v1;
	v27 =	vand.u32 $0x7, v27;
	v1 =	vadd.f32 v24, v18;
	v24 =	vand.u32 $0x7, v59  }
0x1f3: {  	v42 =	vld.idx.msk [tilespmem:v57+s29+$0x0], $0xffff;
	v25 =	vor.u32 s12, v25;
	v53 =	vadd.f32 v28, v17;
	v28 =	vor.u32 v24, v51  }
0x1f4: {  	v52 =	vand.u32 $0x38, v25;
	[tilespmem:v30+s9+$0x0] =	vst.idx.msk $0xffff, v1;
	v1 =	vor.u32 v60, v28;
	v0 =	vadd.f32 v0, v34  }
0x1f5: {  	v27 =	vor.u32 v27, v52;
	v55 =	vor.u32 v23, v28;
	[tilespmem:v50+s9+$0x0] =	vst.idx.msk $0xffff, v53;
	v30 =	vld.idx.msk [tilespmem:v49+s29+$0x0], $0xffff  }
0x1f6: {  	v45 =	vor.u32 v8, v39;
	v54 =	vor.u32 v23, v27;
	v44 =	vld.idx.msk [tilespmem:v58+s29+$0x0], $0xffff;
	[tilespmem:v26+s9+$0x0] =	vst.idx.msk $0xffff, v0  }
0x1f7: {  	v41 =	vor.u32 v60, v27;
	v58 =	vld.idx.msk [tilespmem:v29+s29+$0x0], $0xffff  }
0x1f8: {  	v35 =	vor.u32 v10, v32;
	v46 =	vor.u32 v11, v40;
	v57 =	vor.u32 v9, v37  }
0x1f9: {  	v48 =	vor.u32 v56, v39;
	v42 =	vadd.f32 v42, v16;
	v49 =	vor.u32 v12, v32;
	v1 =	vld.idx.msk [tilespmem:v1+s29+$0x0], $0xffff  }
0x1fa: {  	v38 =	vor.u32 v9, v20;
	v43 =	vor.u32 v7, v20;
	v59 =	vadd.f32 v30, v18;
	v30 =	vld.idx.msk [tilespmem:v55+s2+$0x0], $0xffff  }
0x1fb: {  	v25 =	vshll.u32 v25, $0x7;
	[tilespmem:v45+s9+$0x0] =	vst.idx.msk $0xffff, v42;
	v24 =	vshll.u32 v36, $0x7;
	v36 =	vor.u32 v14, v31;
	v26 =	vld.idx.msk [tilespmem:v54+s2+$0x0], $0xffff  }
0x1fc: {  	v52 =	vor.u32 v7, v21;
	v53 =	vor.u32 v63, v24;
	v41 =	vld.idx.msk [tilespmem:v41+s29+$0x0], $0xffff;
	v45 =	vadd.f32 v58, v34  }
0x1fd: {  	v47 =	vor.u32 v3, v28;
	v42 =	vadd.f32 v44, v17;
	v44 =	vld.idx.msk [tilespmem:v57+s29+$0x0], $0xffff;
	[tilespmem:v46+s9+$0x0] =	vst.idx.msk $0xffff, v59  }
0x1fe: {  	v57 =	vmov v56;
	v56 =	vor.u32 v10, v39;
	v46 =	vor.u32 v63, v25;
	[tilespmem:v49+s9+$0x0] =	vst.idx.msk $0xffff, v45  }
0x1ff: {  	v51 =	vor.u32 v3, v27;
	v43 =	vld.idx.msk [tilespmem:v43+s29+$0x0], $0xffff;
	v1 =	vadd.f32 v1, v30;
	[tilespmem:$0x1FF80] =	vst v56  }
0x200: {  	v50 =	vor.u32 v11, v19;
	v54 =	vor.u32 v13, v37;
	v49 =	vor.u32 v6, v32;
	v36 =	vld.idx.msk [tilespmem:v36+s29+$0x0], $0xffff  }
0x201: {  	v32 =	vadd.f32 v41, v26;
	[tilespmem:v53+s9+$0x0] =	vst.idx.msk $0xffff, v1;
	v1 =	vor.u32 v8, v40  }
0x202: {  	v0 =	vor.u32 v61, v24;
	v55 =	vor.u32 v12, v39;
	v41 =	vadd.f32 v44, v16  }
0x203: {  	s22 =	simm.s32 $0x6;
	v56 =	vor.u32 v14, v37;
	v53 =	vor.u32 v15, v31;
	[tilespmem:v46+s9+$0x0] =	vst.idx.msk $0xffff, v32;
	v44 =	vld.idx.msk [tilespmem:v47+s29+$0x0], $0xffff  }
0x204: {  	s16 =	sand.u32 $0xE, s22;
	v46 =	vor.u32 v62, v27;
	[tilespmem:v48+s9+$0x0] =	vst.idx.msk $0xffff, v41;
	v58 =	vadd.f32 v43, v18;
	v43 =	vld.idx.msk [tilespmem:v51+s29+$0x0], $0xffff  }
0x205: {  	v31 =	vadd.s32 s16, v63;
	[tilespmem:v50+s9+$0x0] =	vst.idx.msk $0xffff, v42;
	v50 =	vor.u32 v62, v28;
	v36 =	vadd.f32 v36, v34  }
0x206: {  	s12 =	sor.u32 $0x1, s16;
	v47 =	vor.u32 v57, v40;
	v42 =	vld.idx.msk [tilespmem:v54+s29+$0x0], $0xffff;
	v54 =	vor.u32 v61, v25;
	[tilespmem:v1+s9+$0x0] =	vst.idx.msk $0xffff, v58  }
0x207: {  	s25 =	sand.u32 $0x30, s22;
	v48 =	vand.u32 $0x7, v31;
	v51 =	vadd.s32 s12, v63;
	v31 =	vand.u32 $0xF, v31;
	v58 =	vld.idx.msk [tilespmem:v38+s29+$0x0], $0xffff;
	[tilespmem:v35+s9+$0x0] =	vst.idx.msk $0xffff, v36  }
0x208: {  	v59 =	vand.u32 $0xF, v51;
	v1 =	vor.u32 s25, v31;
	v35 =	vadd.f32 v44, v30;
	v44 =	vld.idx.msk [tilespmem:v53+s29+$0x0], $0xffff  }
0x209: {  	v41 =	vor.u32 s25, v59;
	v43 =	vadd.f32 v43, v26;
	v36 =	vand.u32 $0x38, v1  }
0x20a: {  	v59 =	vand.u32 $0x38, v41;
	v32 =	vor.u32 v48, v36;
	v53 =	vand.u32 $0x7, v51;
	v48 =	vld.idx.msk [tilespmem:v52+s29+$0x0], $0xffff;
	[tilespmem:v0+s9+$0x0] =	vst.idx.msk $0xffff, v35  }
0x20b: {  	[tilespmem:v54+s9+$0x0] =	vst.idx.msk $0xffff, v43;
	v38 =	vor.u32 v53, v59;
	v35 =	vadd.f32 v42, v16;
	v50 =	vld.idx.msk [tilespmem:v50+s29+$0x0], $0xffff  }
0x20c: {  	v46 =	vld.idx.msk [tilespmem:v46+s29+$0x0], $0xffff;
	v53 =	vor.u32 v8, v19;
	v43 =	vor.u32 v60, v38;
	v59 =	vadd.f32 v58, v18  }
0x20d: {  	[tilespmem:v55+s9+$0x0] =	vst.idx.msk $0xffff, v35;
	v55 =	vor.u32 v11, v24;
	v44 =	vadd.f32 v44, v34  }
0x20e: {  	v45 =	vmov v57;
	v57 =	vor.u32 v13, v20;
	[tilespmem:v47+s9+$0x0] =	vst.idx.msk $0xffff, v59;
	v47 =	vor.u32 v11, v25  }
0x20f: {  	[tilespmem:v49+s9+$0x0] =	vst.idx.msk $0xffff, v44;
	v44 =	vadd.f32 v48, v17  }
0x210: {  	v0 =	vor.u32 v23, v32;
	v48 =	vadd.f32 v50, v30  }
0x211: {  	v52 =	vor.u32 v23, v38;
	v58 =	vld.idx.msk [tilespmem:v43+s29+$0x0], $0xffff;
	v43 =	vadd.f32 v46, v26;
	[tilespmem:v53+s9+$0x0] =	vst.idx.msk $0xffff, v44  }
0x212: {  	v51 =	vor.u32 v60, v32;
	v54 =	vld.idx.msk [tilespmem:v56+s29+$0x0], $0xffff;
	[tilespmem:v55+s9+$0x0] =	vst.idx.msk $0xffff, v48  }
0x213: {  	v35 =	vshll.u32 v1, $0x7;
	v1 =	vor.u32 v9, v21;
	v56 =	vld.idx.msk [tilespmem:v57+s29+$0x0], $0xffff;
	[tilespmem:v47+s9+$0x0] =	vst.idx.msk $0xffff, v43  }
0x214: {  	v22 =	vor.u32 v10, v40;
	v31 =	vshll.u32 v41, $0x7;
	v11 =	vld [tilespmem:$0x1FF80]  }
0x215: {  	v33 =	vor.u32 v9, v28;
	v29 =	vor.u32 v10, v24;
	v41 =	vor.u32 v61, v31;
	v36 =	vld.idx.msk [tilespmem:v0+s2+$0x0], $0xffff  }
0x216: {  	v59 =	vor.u32 v12, v40;
	v57 =	vor.u32 v7, v28;
	v46 =	vor.u32 v15, v37;
	v37 =	vld.idx.msk [tilespmem:v52+s2+$0x0], $0xffff  }
0x217: {  	v42 =	vor.u32 v9, v38;
	v34 =	vor.u32 v10, v31;
	v0 =	vor.u32 v7, v27;
	v48 =	vld.idx.msk [tilespmem:v51+s29+$0x0], $0xffff  }
0x218: {  	v40 =	vor.u32 v6, v40;
	v52 =	vor.u32 v63, v31;
	v53 =	vor.u32 v14, v20;
	v1 =	vld.idx.msk [tilespmem:v1+s29+$0x0], $0xffff  }
0x219: {  	v50 =	vor.u32 v45, v19;
	v49 =	vor.u32 v13, v21;
	v47 =	vadd.f32 v56, v18  }
0x21a: {  	v45 =	vor.u32 v14, v21;
	v44 =	vadd.f32 v54, v16;
	v55 =	vor.u32 v63, v35  }
0x21b: {  	v54 =	vor.u32 v3, v32;
	v43 =	vor.u32 v6, v39;
	v51 =	vld.idx.msk [tilespmem:v57+s29+$0x0], $0xffff;
	[tilespmem:v59+s9+$0x0] =	vst.idx.msk $0xffff, v47  }
0x21c: {  	v56 =	vor.u32 v3, v38;
	[tilespmem:v11+s9+$0x0] =	vst.idx.msk $0xffff, v44;
	v44 =	vld.idx.msk [tilespmem:v0+s29+$0x0], $0xffff;
	v0 =	vadd.f32 v58, v37  }
0x21d: {  	v39 =	vor.u32 v10, v19;
	v57 =	vadd.f32 v48, v36;
	v48 =	vld.idx.msk [tilespmem:v53+s29+$0x0], $0xffff;
	v53 =	vadd.f32 v1, v17  }
0x21e: {  	v47 =	vld.idx.msk [tilespmem:v46+s29+$0x0], $0xffff;
	v46 =	vor.u32 v12, v19;
	[tilespmem:v52+s9+$0x0] =	vst.idx.msk $0xffff, v0;
	v52 =	vor.u32 v8, v24  }
.LBB2_10:
0x21f: {  	v11 =	vld [tilespmem:$0x1FFD0]  }
0x220: {  	v10 =	vld [tilespmem:$0x1FFC0]  }
0x221: {  	v0 =	vld.idx.msk [tilespmem:v56+s29+$0x0], $0xffff;
	v56 =	vmov v19  }
0x222: {  	s22 =	sadd.s32 $0x2, s22;
	v19 =	vmovc v25;
	[tilespmem:v55+s9+$0x0] =	vst.idx.msk $0xffff, v57;
	v55 =	vor.u32 v15, v20;
	v20 =	vmov v28;
	v28 =	vmov v38  }
0x223: {  	s12 =	sand.u32 $0xE, s22;
	v38 =	vld.idx.msk [tilespmem:v54+s29+$0x0], $0xffff;
	[tilespmem:v50+s9+$0x0] =	vst.idx.msk $0xffff, v53;
	v50 =	vor.u32 v62, v32;
	v51 =	vadd.f32 v51, v30  }
0x224: {  	v25 =	vmovc v35;
	v49 =	vld.idx.msk [tilespmem:v49+s29+$0x0], $0xffff;
	v48 =	vadd.f32 v48, v18;
	v35 =	vadd.f32 v47, v16;
	v47 =	vadd.s32 s12, v63  }
0x225: {  	s12 =	sor.u32 $0x1, s12;
	v16 =	vmovc v17;
	v17 =	vmovc v26;
	v1 =	vor.u32 v11, v24;
	v54 =	vor.u32 v10, v20;
	v53 =	vand.u32 $0x7, v47  }
0x226: {  	v14 =	vld [tilespmem:$0x1FFA0];
	s25 =	sand.u32 $0x30, s22;
	[tilespmem:v52+s9+$0x0] =	vst.idx.msk $0xffff, v51;
	v26 =	vmovc v36;
	v57 =	vadd.s32 s12, v63;
	v59 =	vand.u32 $0xF, v47;
	v47 =	vor.u32 v62, v28  }
0x227: {  	v51 =	vld.idx.msk [tilespmem:v33+s29+$0x0], $0xffff;
	v0 =	vadd.f32 v0, v37;
	[tilespmem:v43+s9+$0x0] =	vst.idx.msk $0xffff, v35;
	v58 =	vand.u32 $0xF, v57;
	v35 =	vor.u32 s25, v59  }
0x228: {  	[tilespmem:v22+s9+$0x0] =	vst.idx.msk $0xffff, v48;
	v33 =	vmovc v42;
	v43 =	vor.u32 v61, v25;
	v52 =	vand.u32 $0x7, v57;
	v59 =	vor.u32 s25, v58  }
0x229: {  	v22 =	vmovc v29;
	v36 =	vld.idx.msk [tilespmem:v55+s29+$0x0], $0xffff;
	v62 =	vand.u32 $0x38, v35;
	[tilespmem:v41+s9+$0x0] =	vst.idx.msk $0xffff, v0;
	v48 =	vand.u32 $0x38, v59;
	v58 =	vshll.u32 v59, $0x7  }
0x22a: {  	v29 =	vmovc v34;
	v53 =	vor.u32 v53, v62;
	v62 =	vadd.f32 v38, v26;
	v59 =	vadd.f32 v49, v16  }
0x22b: {  	v13 =	vld [tilespmem:$0x1FFE0];
	v57 =	vmovc v37;
	v61 =	vor.u32 v61, v58;
	v0 =	vor.u32 v23, v53;
	v38 =	vor.u32 v52, v48  }
0x22c: {  	v34 =	vor.u32 v14, v58;
	v37 =	vld.idx.msk [tilespmem:v47+s29+$0x0], $0xffff;
	v47 =	vor.u32 v60, v53;
	v48 =	vor.u32 v23, v38  }
0x22d: {  	v41 =	vmov v61;
	v61 =	vor.u32 v60, v38;
	v42 =	vor.u32 v9, v38;
	[tilespmem:v43+s9+$0x0] =	vst.idx.msk $0xffff, v62  }
0x22e: {  	v60 =	vor.u32 v7, v28;
	v62 =	vadd.f32 v51, v30;
	v49 =	vld.idx.msk [tilespmem:v50+s29+$0x0], $0xffff;
	[tilespmem:v46+s9+$0x0] =	vst.idx.msk $0xffff, v59  }
0x22f: {  	v36 =	vadd.f32 v36, v18;
	v51 =	vor.u32 v9, v27;
	v46 =	vor.u32 v8, v19;
	v45 =	vld.idx.msk [tilespmem:v45+s29+$0x0], $0xffff  }
0x230: {  	v50 =	vor.u32 v13, v31;
	[tilespmem:v1+s9+$0x0] =	vst.idx.msk $0xffff, v62;
	v1 =	vor.u32 v13, v25;
	v13 =	vld [tilespmem:$0x1FFB0]  }
0x231: {  	v18 =	vmov v30;
	v43 =	vor.u32 v6, v56;
	v56 =	vor.u32 v3, v38;
	v52 =	vld.idx.msk [tilespmem:v54+s29+$0x0], $0xffff  }
0x232: {  	[tilespmem:v40+s9+$0x0] =	vst.idx.msk $0xffff, v36;
	v36 =	vld.idx.msk [tilespmem:v0+s2+$0x0], $0xffff;
	v0 =	vor.u32 v7, v32;
	v40 =	vadd.f32 v44, v17  }
0x233: {  	v62 =	vor.u32 v63, v58;
	v54 =	vor.u32 v15, v21;
	v59 =	vld.idx.msk [tilespmem:v61+s29+$0x0], $0xffff;
	v49 =	vadd.f32 v49, v26  }
0x234: {  	v30 =	vadd.f32 v37, v57;
	v61 =	vor.u32 v12, v24;
	v37 =	vld.idx.msk [tilespmem:v48+s2+$0x0], $0xffff;
	[tilespmem:v46+s9+$0x0] =	vst.idx.msk $0xffff, v40  }
0x235: {  	v35 =	vshll.u32 v35, $0x7;
	v21 =	vmov v27;
	v46 =	vld.idx.msk [tilespmem:v47+s29+$0x0], $0xffff;
	v40 =	vor.u32 v13, v20;
	[tilespmem:v1+s9+$0x0] =	vst.idx.msk $0xffff, v49  }
0x236: {  	v27 =	vmov v32;
	v32 =	vmov v53;
	[tilespmem:v50+s9+$0x0] =	vst.idx.msk $0xffff, v30;
	v55 =	vadd.f32 v45, v16;
	v1 =	vld.idx.msk [tilespmem:v51+s29+$0x0], $0xffff  }
0x237: {  	p2 =	slt.u32 s22, $0x3E;
	v50 =	vor.u32 v11, v19;
	v45 =	vor.u32 v13, v21;
	v44 =	vld.idx.msk [tilespmem:v0+s29+$0x0], $0xffff;
	v0 =	vadd.f32 v52, v18  }
.Ltmp4:
0x238: {  	v49 =	vor.u32 v10, v21;
	[tilespmem:v39+s9+$0x0] =	vst.idx.msk $0xffff, v55;
	v55 =	vor.u32 v63, v35;
	v51 =	vld.idx.msk [tilespmem:v60+s29+$0x0], $0xffff;
	(pc) =	sbr.rel @p2 .LBB2_10-.Ltmp4, $4  }
0x239: {  	v30 =	vmov v57;
	v60 =	vmov v2;
	v39 =	vor.u32 v14, v19;
	v47 =	vld.idx.msk [tilespmem:v54+s29+$0x0], $0xffff;
	[tilespmem:v61+s9+$0x0] =	vst.idx.msk $0xffff, v0  }
0x23a: {  	v54 =	vor.u32 v3, v32;
	v0 =	vadd.f32 v59, v37;
	v48 =	vld.idx.msk [tilespmem:v40+s29+$0x0], $0xffff;
	v40 =	vor.u32 v6, v24  }
0x23b: {  	v61 =	vmovc v4;
	v57 =	vadd.f32 v46, v36;
	v46 =	vor.u32 v12, v19;
	v24 =	vmovc v31;
	v31 =	vmov v58  }
0x23c: {  	[tilespmem:v62+s9+$0x0] =	vst.idx.msk $0xffff, v0;
	v62 =	vmov v5;
	v52 =	vor.u32 v8, v24;
	v53 =	vadd.f32 v1, v17  }
0x23d: {  	_ =	sdelay $0x3  }
0x23e: {  	[tilespmem:v55+s9+$0x0] =	vst.idx.msk $0xffff, v57;
	v0 =	vld.idx.msk [tilespmem:v56+s29+$0x0], $0xffff  }
0x23f: {  	v1 =	vld.idx.msk [tilespmem:v54+s29+$0x0], $0xffff;
	_ =	sdelay $0x1  }
0x240: {  	v58 =	vor.u32 v61, v35;
	_ =	sdelay $0x1  }
0x241: {  	v0 =	vadd.f32 v0, v37  }
0x242: {  	v1 =	vadd.f32 v1, v36  }
0x243: {  	v23 =	vor.u32 v62, v38;
	[tilespmem:v41+s9+$0x0] =	vst.idx.msk $0xffff, v0  }
0x244: {  	[tilespmem:v58+s9+$0x0] =	vst.idx.msk $0xffff, v1  }
0x245: {  	v57 =	vor.u32 v62, v32;
	v10 =	vld [tilespmem:$0x1FFE0];
	_ =	sdelay $0x2  }
0x246: {  	v0 =	vld.idx.msk [tilespmem:v23+s29+$0x0], $0xffff;
	_ =	sdelay $0x1  }
0x247: {  	v1 =	vld.idx.msk [tilespmem:v57+s29+$0x0], $0xffff;
	v23 =	vor.u32 v10, v31  }
0x248: {  	v54 =	vor.u32 v7, v38  }
0x249: {  	v41 =	vor.u32 v10, v35  }
0x24a: {  	v0 =	vadd.f32 v0, v37;
	_ =	sdelay $0x1  }
0x24b: {  	v1 =	vadd.f32 v1, v36;
	[tilespmem:v23+s9+$0x0] =	vst.idx.msk $0xffff, v0  }
0x24c: {  	v58 =	vor.u32 v7, v32;
	v0 =	vld.idx.msk [tilespmem:v54+s29+$0x0], $0xffff  }
0x24d: {  	[tilespmem:v41+s9+$0x0] =	vst.idx.msk $0xffff, v1;
	v1 =	vor.u32 v8, v25  }
0x24e: {  	v54 =	vor.u32 v8, v31  }
0x24f: {  	v51 =	vadd.f32 v51, v30  }
0x250: {  	v44 =	vadd.f32 v44, v26  }
0x251: {  	[tilespmem:v52+s9+$0x0] =	vst.idx.msk $0xffff, v51;
	v23 =	vld.idx.msk [tilespmem:v58+s29+$0x0], $0xffff;
	v0 =	vadd.f32 v0, v37  }
0x252: {  	v41 =	vor.u32 v9, v27;
	[tilespmem:v1+s9+$0x0] =	vst.idx.msk $0xffff, v44  }
0x253: {  	v55 =	vor.u32 v8, v35;
	[tilespmem:v54+s9+$0x0] =	vst.idx.msk $0xffff, v0  }
0x254: {  	v58 =	vmov v8;
	v8 =	vld [tilespmem:$0x1FFD0]  }
0x255: {  	v56 =	vor.u32 v9, v32  }
0x256: {  	v33 =	vld.idx.msk [tilespmem:v33+s29+$0x0], $0xffff;
	v1 =	vadd.f32 v23, v36  }
0x257: {  	v23 =	vld.idx.msk [tilespmem:v41+s29+$0x0], $0xffff  }
0x258: {  	v41 =	vld.idx.msk [tilespmem:v42+s29+$0x0], $0xffff;
	[tilespmem:v55+s9+$0x0] =	vst.idx.msk $0xffff, v1  }
0x259: {  	v57 =	vmov v7;
	v7 =	vld [tilespmem:$0x1FFC0];
	v0 =	vor.u32 v8, v24  }
0x25a: {  	v44 =	vld.idx.msk [tilespmem:v56+s29+$0x0], $0xffff;
	v42 =	vor.u32 v8, v25  }
0x25b: {  	v52 =	vor.u32 v8, v31  }
0x25c: {  	v33 =	vadd.f32 v33, v30;
	v55 =	vor.u32 v8, v35  }
0x25d: {  	[tilespmem:v50+s9+$0x0] =	vst.idx.msk $0xffff, v53;
	v23 =	vadd.f32 v23, v26  }
0x25e: {  	[tilespmem:v0+s9+$0x0] =	vst.idx.msk $0xffff, v33;
	v0 =	vadd.f32 v41, v37  }
0x25f: {  	v1 =	vor.u32 v7, v28;
	[tilespmem:v42+s9+$0x0] =	vst.idx.msk $0xffff, v23;
	v23 =	vadd.f32 v44, v36  }
0x260: {  	v51 =	vor.u32 v7, v27;
	[tilespmem:v52+s9+$0x0] =	vst.idx.msk $0xffff, v0  }
0x261: {  	v54 =	vor.u32 v7, v38;
	[tilespmem:v55+s9+$0x0] =	vst.idx.msk $0xffff, v23  }
0x262: {  	v53 =	vor.u32 v7, v32;
	v13 =	vld [tilespmem:$0x1FFB0]  }
0x263: {  	v49 =	vld.idx.msk [tilespmem:v49+s29+$0x0], $0xffff  }
0x264: {  	v1 =	vld.idx.msk [tilespmem:v1+s29+$0x0], $0xffff  }
0x265: {  	v33 =	vld.idx.msk [tilespmem:v51+s29+$0x0], $0xffff  }
0x266: {  	v0 =	vor.u32 v12, v24;
	v41 =	vld.idx.msk [tilespmem:v54+s29+$0x0], $0xffff  }
0x267: {  	v42 =	vor.u32 v12, v25;
	v44 =	vld.idx.msk [tilespmem:v53+s29+$0x0], $0xffff;
	v23 =	vor.u32 v13, v28  }
0x268: {  	v49 =	vadd.f32 v49, v17;
	v51 =	vor.u32 v12, v31  }
0x269: {  	v53 =	vor.u32 v12, v35;
	v1 =	vadd.f32 v1, v30  }
0x26a: {  	[tilespmem:v46+s9+$0x0] =	vst.idx.msk $0xffff, v49;
	v33 =	vadd.f32 v33, v26  }
0x26b: {  	[tilespmem:v0+s9+$0x0] =	vst.idx.msk $0xffff, v1;
	v0 =	vadd.f32 v41, v37  }
0x26c: {  	[tilespmem:v42+s9+$0x0] =	vst.idx.msk $0xffff, v33;
	v1 =	vld.idx.msk [tilespmem:v23+s29+$0x0], $0xffff;
	v23 =	vadd.f32 v44, v36  }
0x26d: {  	v50 =	vor.u32 v13, v27;
	[tilespmem:v51+s9+$0x0] =	vst.idx.msk $0xffff, v0  }
0x26e: {  	v52 =	vor.u32 v13, v38;
	[tilespmem:v53+s9+$0x0] =	vst.idx.msk $0xffff, v23  }
0x26f: {  	v55 =	vor.u32 v13, v32;
	v14 =	vld [tilespmem:$0x1FFA0]  }
0x270: {  	v45 =	vld.idx.msk [tilespmem:v45+s29+$0x0], $0xffff;
	_ =	sdelay $0x1  }
0x271: {  	v20 =	vor.u32 v15, v20;
	v33 =	vld.idx.msk [tilespmem:v50+s29+$0x0], $0xffff  }
0x272: {  	v21 =	vor.u32 v15, v21;
	v0 =	vadd.f32 v48, v18;
	v48 =	vld.idx.msk [tilespmem:v52+s29+$0x0], $0xffff  }
0x273: {  	v28 =	vor.u32 v15, v28;
	v49 =	vld.idx.msk [tilespmem:v55+s29+$0x0], $0xffff;
	v23 =	vor.u32 v14, v25  }
0x274: {  	[tilespmem:v22+s9+$0x0] =	vst.idx.msk $0xffff, v0;
	v0 =	vadd.f32 v45, v17;
	v22 =	vor.u32 v15, v27  }
0x275: {  	v50 =	vor.u32 v15, v38;
	v1 =	vadd.f32 v1, v30;
	v27 =	vor.u32 v14, v35  }
0x276: {  	v51 =	vor.u32 v15, v32;
	v20 =	vld.idx.msk [tilespmem:v20+s29+$0x0], $0xffff;
	[tilespmem:v39+s9+$0x0] =	vst.idx.msk $0xffff, v0;
	v0 =	vadd.f32 v33, v26  }
0x277: {  	v21 =	vld.idx.msk [tilespmem:v21+s29+$0x0], $0xffff;
	[tilespmem:v29+s9+$0x0] =	vst.idx.msk $0xffff, v1;
	v1 =	vadd.f32 v48, v37  }
0x278: {  	v28 =	vld.idx.msk [tilespmem:v28+s29+$0x0], $0xffff;
	[tilespmem:v23+s9+$0x0] =	vst.idx.msk $0xffff, v0;
	v0 =	vadd.f32 v49, v36  }
0x279: {  	v19 =	vor.u32 v6, v19;
	[tilespmem:v34+s9+$0x0] =	vst.idx.msk $0xffff, v1;
	v22 =	vld.idx.msk [tilespmem:v22+s29+$0x0], $0xffff  }
0x27a: {  	v1 =	vadd.f32 v47, v16;
	v16 =	vor.u32 v6, v24;
	v23 =	vld.idx.msk [tilespmem:v50+s29+$0x0], $0xffff;
	[tilespmem:v27+s9+$0x0] =	vst.idx.msk $0xffff, v0  }
0x27b: {  	v0 =	vadd.f32 v20, v18;
	v18 =	vor.u32 v6, v25;
	v20 =	vld.idx.msk [tilespmem:v51+s29+$0x0], $0xffff  }
0x27c: {  	[tilespmem:v43+s9+$0x0] =	vst.idx.msk $0xffff, v1;
	v1 =	vadd.f32 v21, v17;
	v17 =	vor.u32 v6, v31  }
0x27d: {  	v21 =	vor.u32 v6, v35;
	[tilespmem:v40+s9+$0x0] =	vst.idx.msk $0xffff, v0;
	v0 =	vadd.f32 v28, v30  }
0x27e: {  	[tilespmem:v19+s9+$0x0] =	vst.idx.msk $0xffff, v1;
	v1 =	vadd.f32 v22, v26  }
0x27f: {  	s12 =	sshll.u32 s21, $0x12;
	[tilespmem:v16+s9+$0x0] =	vst.idx.msk $0xffff, v0;
	v0 =	vadd.f32 v23, v37  }
0x280: {  	s12 =	sor.u32 s5, s12;
	[tilespmem:v18+s9+$0x0] =	vst.idx.msk $0xffff, v1;
	v1 =	vadd.f32 v20, v36  }
0x281: {  	s12 =	sshrl.u32 s12, $0x3;
	[tilespmem:v17+s9+$0x0] =	vst.idx.msk $0xffff, v0  }
0x282: {  	s12 =	sadd.s32 s7, s12;
	[tilespmem:v21+s9+$0x0] =	vst.idx.msk $0xffff, v1  }
0x283: {  	[hbm4b:s12+s23] =	stream.strided.scatter [tilespmem:s9], [sflag:$0xB], $0x2000, s18, s23, $0x38;
	[tilespmem:$0x13400] =	vst v63  }
0x284: {  	_ =	swait.ge [sflag:s10], $0x2000  }
0x285: {  	[sflag:s10] =	ssyncset.done $0x0  }
0x286: {  	s12 =	simm.s32 @!p0 $0x3;
	[sflag:s10] =	ssyncadd.s32 $0xFFFFE000  }
0x287: {  	_ =	swait.ge @!p0 [sflag:s12], $0x80  }
0x288: {  	s13 =	simm.s32 @!p0 $0x3300;
	[sflag:s12] =	ssyncset.done @!p0 $0x0  }
0x289: {  	s14 =	simm.s32 @!p0 $0x7400;
	[sflag:s12] =	ssyncadd.s32 @!p0 $0xFFFFFF80;
	s12 =	simm.s32 @!p0 $0x80  }
0x28a: {  	[tilespmem:s14], [sflag:$0x7] =	stream.indirect.gather @!p0 [hbm4b:s4+s12], $0x40, s13, s12, $0xb8;
	[tilespmem:$0x13400] =	vst v63  }
0x28b: {  	s12 =	sadd.s32 @!p0 s15, s17  }
0x28c: {  	s12 =	sshrl.u32 @!p0 s12, $0x3  }
0x28d: {  	s13 =	simm.s32 @!p0 $0x0;
	s14 =	simm.s32 @!p0 $0x3380;
	s12 =	sadd.s32 @!p0 s3, s12  }
0x28e: {  	[tilespmem:s14], [sflag:$0x4] =	stream.linear.gather @!p0 [hbm4b:s12+s13], $0x80, $0x38;
	[tilespmem:$0x13400] =	vst v63  }
0x28f: {  	s17 =	simm.s32 $0x0;
	p0 =	por p0, !p1  }
0x290: {  	s21 =	sand.u32 $0xE, s17;
	s12 =	simm.s32 @p0 $0xC  }
0x291: {  	s22 =	sor.u32 $0x1, s21;
	_ =	swait.ge @p0 [sflag:s12], $0x2000  }
0x292: {  	v0 =	vadd.s32 s22, v63;
	[sflag:s12] =	ssyncset.done @p0 $0x0  }
0x293: {  	v1 =	vand.u32 $0xF, v0;
	[sflag:s12] =	ssyncadd.s32 @p0 $0xFFFFE000;
	s12 =	sand.u32 $0x30, s17  }
0x294: {  	v1 =	vor.u32 s12, v1  }
0x295: {  	v0 =	vand.u32 $0x7, v0;
	v16 =	vand.u32 $0x38, v1  }
0x296: {  	s25 =	sshll.u32 s8, $0x6;
	v31 =	vor.u32 v0, v16  }
0x297: {  	v23 =	vmov s25;
	v0 =	vor.u32 v60, v31  }
0x298: {  	v16 =	vor.u32 v23, v31  }
0x299: {  	v17 =	vadd.s32 s21, v63  }
0x29a: {  	v18 =	vand.u32 $0xF, v17  }
0x29b: {  	v18 =	vor.u32 s12, v18  }
0x29c: {  	v17 =	vand.u32 $0x7, v17;
	v19 =	vand.u32 $0x38, v18;
	v0 =	vld.idx.msk [tilespmem:v0+s0+$0x0], $0xffff  }
0x29d: {  	v37 =	vor.u32 v17, v19;
	v34 =	vld.idx.msk [tilespmem:v16+s2+$0x0], $0xffff  }
0x29e: {  	v32 =	vshll.u32 v1, $0x7;
	v1 =	vor.u32 v23, v37  }
0x29f: {  	v59 =	vmov v3;
	v17 =	vor.u32 v63, v32;
	v20 =	vor.u32 v60, v37  }
0x2a0: {  	v19 =	vor.u32 v59, v31;
	_ =	sdelay $0x1  }
0x2a1: {  	v0 =	vadd.f32 v0, v34  }
0x2a2: {  	s14 =	simm.s32 $0x2;
	v16 =	vld.idx.msk [tilespmem:v1+s2+$0x0], $0xffff  }
0x2a3: {  	s16 =	sand.u32 $0xE, s14;
	v39 =	vshll.u32 v18, $0x7;
	v18 =	vld.idx.msk [tilespmem:v20+s0+$0x0], $0xffff;
	[tilespmem:v17+s11+$0x0] =	vst.idx.msk $0xffff, v0  }
0x2a4: {  	v22 =	vor.u32 v59, v37;
	v1 =	vadd.s32 s16, v63;
	v0 =	vld.idx.msk [tilespmem:v19+s0+$0x0], $0xffff  }
0x2a5: {  	s13 =	sor.u32 $0x1, s16;
	s12 =	sand.u32 $0x30, s14;
	v25 =	vor.u32 v62, v31;
	v21 =	vand.u32 $0xF, v1;
	v19 =	vor.u32 v63, v39  }
0x2a6: {  	v20 =	vadd.s32 s13, v63;
	v26 =	vor.u32 s12, v21;
	v17 =	vor.u32 v61, v32  }
0x2a7: {  	v24 =	vand.u32 $0xF, v20;
	v1 =	vand.u32 $0x7, v1;
	v21 =	vand.u32 $0x38, v26  }
0x2a8: {  	v24 =	vor.u32 s12, v24;
	v21 =	vor.u32 v1, v21;
	v1 =	vadd.f32 v18, v16  }
0x2a9: {  	v20 =	vand.u32 $0x7, v20;
	v27 =	vand.u32 $0x38, v24;
	v0 =	vadd.f32 v0, v34  }
0x2aa: {  	v20 =	vor.u32 v20, v27;
	v18 =	vor.u32 v23, v21;
	[tilespmem:v19+s11+$0x0] =	vst.idx.msk $0xffff, v1  }
0x2ab: {  	v19 =	vor.u32 v23, v20;
	[tilespmem:v17+s11+$0x0] =	vst.idx.msk $0xffff, v0  }
0x2ac: {  	v0 =	vor.u32 v60, v20;
	v1 =	vld.idx.msk [tilespmem:v25+s0+$0x0], $0xffff  }
0x2ad: {  	v11 =	vmovc v7;
	v7 =	vmov v6;
	v6 =	vmov v10;
	v25 =	vor.u32 v60, v21  }
0x2ae: {  	v27 =	vor.u32 v6, v32;
	v22 =	vld.idx.msk [tilespmem:v22+s0+$0x0], $0xffff  }
0x2af: {  	v29 =	vor.u32 v57, v31;
	v17 =	vld.idx.msk [tilespmem:v18+s2+$0x0], $0xffff  }
0x2b0: {  	v18 =	vld.idx.msk [tilespmem:v19+s2+$0x0], $0xffff  }
0x2b1: {  	v28 =	vor.u32 v61, v39;
	v0 =	vld.idx.msk [tilespmem:v0+s0+$0x0], $0xffff;
	v1 =	vadd.f32 v1, v34  }
0x2b2: {  	v30 =	vor.u32 v62, v37;
	v40 =	vshll.u32 v24, $0x7;
	v24 =	vld.idx.msk [tilespmem:v25+s0+$0x0], $0xffff  }
0x2b3: {  	v19 =	vshll.u32 v26, $0x7;
	v25 =	vor.u32 v63, v40;
	[tilespmem:v27+s11+$0x0] =	vst.idx.msk $0xffff, v1  }
0x2b4: {  	v26 =	vor.u32 v59, v20;
	v22 =	vadd.f32 v22, v16;
	v1 =	vor.u32 v63, v19;
	v27 =	vld.idx.msk [tilespmem:v29+s0+$0x0], $0xffff;
	_ =	sdelay $0x1  }
0x2b5: {  	s17 =	simm.s32 $0x4;
	v52 =	vor.u32 v58, v32;
	[tilespmem:v28+s11+$0x0] =	vst.idx.msk $0xffff, v22;
	v0 =	vadd.f32 v0, v18  }
0x2b6: {  	s21 =	sand.u32 $0xE, s17;
	v28 =	vor.u32 v9, v31;
	v29 =	vld.idx.msk [tilespmem:v30+s0+$0x0], $0xffff;
	v24 =	vadd.f32 v24, v17  }
0x2b7: {  	v53 =	vor.u32 v6, v39;
	s13 =	sor.u32 $0x1, s21;
	[tilespmem:v25+s11+$0x0] =	vst.idx.msk $0xffff, v0  }
0x2b8: {  	v55 =	vadd.s32 s13, v63;
	[tilespmem:v1+s11+$0x0] =	vst.idx.msk $0xffff, v24;
	v1 =	vld.idx.msk [tilespmem:v26+s0+$0x0], $0xffff;
	v24 =	vadd.f32 v27, v34  }
0x2b9: {  	v48 =	vand.u32 $0xF, v55;
	v30 =	vor.u32 v59, v21  }
0x2ba: {  	v36 =	vor.u32 v61, v40;
	v49 =	vor.u32 v62, v20;
	v27 =	vadd.s32 s21, v63;
	[tilespmem:v52+s11+$0x0] =	vst.idx.msk $0xffff, v24  }
0x2bb: {  	v56 =	vmovc v8;
	s12 =	sand.u32 $0x30, s17;
	v0 =	vor.u32 v57, v37;
	v25 =	vadd.f32 v29, v16;
	v24 =	vand.u32 $0xF, v27;
	v50 =	vld.idx.msk [tilespmem:v28+s0+$0x0], $0xffff  }
0x2bc: {  	v26 =	vor.u32 v56, v32;
	v46 =	vor.u32 s12, v24;
	v24 =	vor.u32 s12, v48  }
0x2bd: {  	[tilespmem:v53+s11+$0x0] =	vst.idx.msk $0xffff, v25;
	v25 =	vand.u32 $0x7, v55;
	v28 =	vand.u32 $0x38, v24;
	v1 =	vadd.f32 v1, v18  }
0x2be: {  	v35 =	vor.u32 v14, v32;
	v29 =	vld.idx.msk [tilespmem:v30+s0+$0x0], $0xffff;
	v30 =	vor.u32 v11, v31;
	v28 =	vor.u32 v25, v28  }
0x2bf: {  	v45 =	vor.u32 v58, v39;
	v27 =	vand.u32 $0x7, v27;
	[tilespmem:v36+s11+$0x0] =	vst.idx.msk $0xffff, v1;
	v1 =	vor.u32 v60, v28  }
0x2c0: {  	v52 =	vand.u32 $0x38, v46;
	v55 =	vor.u32 v23, v28;
	v25 =	vadd.f32 v50, v34  }
0x2c1: {  	v43 =	vor.u32 v13, v31;
	v38 =	vor.u32 v9, v20;
	v0 =	vld.idx.msk [tilespmem:v0+s0+$0x0], $0xffff;
	v27 =	vor.u32 v27, v52  }
0x2c2: {  	v51 =	vor.u32 v61, v19;
	v53 =	vor.u32 v23, v27;
	v36 =	vld.idx.msk [tilespmem:v49+s0+$0x0], $0xffff;
	[tilespmem:v26+s11+$0x0] =	vst.idx.msk $0xffff, v25  }
0x2c3: {  	v42 =	vor.u32 v62, v21;
	v41 =	vor.u32 v57, v20;
	v22 =	vor.u32 v14, v40;
	v50 =	vld.idx.msk [tilespmem:v30+s0+$0x0], $0xffff  }
0x2c4: {  	v54 =	vmovc v12;
	v48 =	vor.u32 v6, v40;
	v24 =	vshll.u32 v24, $0x7;
	v44 =	vor.u32 v60, v27;
	v1 =	vld.idx.msk [tilespmem:v1+s0+$0x0], $0xffff  }
0x2c5: {  	v29 =	vadd.f32 v29, v17;
	v47 =	vor.u32 v61, v24;
	v49 =	vor.u32 v9, v37;
	v30 =	vld.idx.msk [tilespmem:v55+s2+$0x0], $0xffff  }
0x2c6: {  	v3 =	vmovc v57;
	v12 =	vmovc v54;
	v52 =	vor.u32 v57, v21;
	v25 =	vshll.u32 v46, $0x7;
	v46 =	vor.u32 v54, v32  }
0x2c7: {  	[tilespmem:v51+s11+$0x0] =	vst.idx.msk $0xffff, v29;
	v0 =	vadd.f32 v0, v16;
	v26 =	vld.idx.msk [tilespmem:v53+s2+$0x0], $0xffff;
	v53 =	vor.u32 v63, v24  }
0x2c8: {  	v33 =	vor.u32 v9, v28;
	v29 =	vor.u32 v14, v24;
	v42 =	vld.idx.msk [tilespmem:v42+s0+$0x0], $0xffff;
	v36 =	vadd.f32 v36, v18  }
0x2c9: {  	v51 =	vor.u32 v6, v19;
	[tilespmem:v45+s11+$0x0] =	vst.idx.msk $0xffff, v0;
	v0 =	vld.idx.msk [tilespmem:v44+s0+$0x0], $0xffff;
	v57 =	vadd.f32 v50, v34  }
0x2ca: {  	v54 =	vor.u32 v11, v37;
	[tilespmem:v48+s11+$0x0] =	vst.idx.msk $0xffff, v36;
	v36 =	vld.idx.msk [tilespmem:v49+s0+$0x0], $0xffff;
	v1 =	vadd.f32 v1, v30  }
0x2cb: {  	v45 =	vor.u32 v63, v25;
	v48 =	vor.u32 v59, v28;
	[tilespmem:v46+s11+$0x0] =	vst.idx.msk $0xffff, v57  }
0x2cc: {  	v44 =	vor.u32 v14, v39;
	v41 =	vld.idx.msk [tilespmem:v41+s0+$0x0], $0xffff;
	v50 =	vor.u32 v59, v27;
	[tilespmem:v53+s11+$0x0] =	vst.idx.msk $0xffff, v1  }
0x2cd: {  	v10 =	vmovc v56;
	v55 =	vor.u32 v12, v39;
	v42 =	vadd.f32 v42, v17;
	v49 =	vor.u32 v56, v39;
	v15 =	vld [tilespmem:$0x1FF90]  }
0x2ce: {  	s17 =	simm.s32 $0x6;
	v56 =	vor.u32 v13, v37;
	v0 =	vadd.f32 v0, v26;
	v46 =	vor.u32 v7, v32;
	v43 =	vld.idx.msk [tilespmem:v43+s0+$0x0], $0xffff  }
0x2cf: {  	s22 =	sand.u32 $0xE, s17;
	v1 =	vor.u32 v58, v40;
	v57 =	vor.u32 v11, v20;
	v32 =	vadd.f32 v36, v16  }
0x2d0: {  	v36 =	vld.idx.msk [tilespmem:v48+s0+$0x0], $0xffff;
	v48 =	vor.u32 v10, v40;
	[tilespmem:v45+s11+$0x0] =	vst.idx.msk $0xffff, v0;
	v0 =	vadd.s32 s22, v63  }
0x2d1: {  	v45 =	vor.u32 v62, v27;
	[tilespmem:v51+s11+$0x0] =	vst.idx.msk $0xffff, v42;
	v51 =	vor.u32 v62, v28;
	v50 =	vld.idx.msk [tilespmem:v50+s0+$0x0], $0xffff  }
0x2d2: {  	s12 =	sor.u32 $0x1, s22;
	[tilespmem:v49+s11+$0x0] =	vst.idx.msk $0xffff, v32;
	v32 =	vand.u32 $0x7, v0;
	v53 =	vor.u32 v15, v31;
	v31 =	vadd.f32 v41, v18  }
0x2d3: {  	v8 =	vmovc v58;
	s25 =	sand.u32 $0x30, s17;
	v49 =	vadd.s32 s12, v63;
	v0 =	vand.u32 $0xF, v0;
	v58 =	vadd.f32 v43, v34  }
0x2d4: {  	v42 =	vld.idx.msk [tilespmem:v54+s0+$0x0], $0xffff;
	v54 =	vand.u32 $0xF, v49;
	v0 =	vor.u32 s25, v0;
	v43 =	vor.u32 v61, v25;
	[tilespmem:v1+s11+$0x0] =	vst.idx.msk $0xffff, v31  }
0x2d5: {  	v1 =	vor.u32 s25, v54;
	[tilespmem:v35+s11+$0x0] =	vst.idx.msk $0xffff, v58;
	v35 =	vadd.f32 v36, v30;
	v58 =	vand.u32 $0x38, v0  }
0x2d6: {  	v54 =	vld.idx.msk [tilespmem:v38+s0+$0x0], $0xffff;
	v31 =	vshll.u32 v1, $0x7;
	v1 =	vand.u32 $0x38, v1;
	v32 =	vor.u32 v32, v58  }
0x2d7: {  	v58 =	vand.u32 $0x7, v49;
	v49 =	vadd.f32 v50, v26;
	v41 =	vor.u32 v61, v31  }
0x2d8: {  	[tilespmem:v47+s11+$0x0] =	vst.idx.msk $0xffff, v35;
	v47 =	vor.u32 v23, v32;
	v38 =	vor.u32 v58, v1;
	v53 =	vld.idx.msk [tilespmem:v53+s0+$0x0], $0xffff  }
0x2d9: {  	v50 =	vld.idx.msk [tilespmem:v52+s0+$0x0], $0xffff;
	v1 =	vadd.f32 v42, v16;
	v52 =	vor.u32 v60, v32;
	v35 =	vshll.u32 v0, $0x7  }
0x2da: {  	v0 =	vor.u32 v9, v21;
	v51 =	vld.idx.msk [tilespmem:v51+s0+$0x0], $0xffff;
	v58 =	vor.u32 v23, v38;
	[tilespmem:v43+s11+$0x0] =	vst.idx.msk $0xffff, v49  }
0x2db: {  	v43 =	vor.u32 v60, v38;
	v45 =	vld.idx.msk [tilespmem:v45+s0+$0x0], $0xffff;
	[tilespmem:v55+s11+$0x0] =	vst.idx.msk $0xffff, v1;
	v36 =	vadd.f32 v54, v18  }
0x2dc: {  	v42 =	vor.u32 v9, v38;
	v1 =	vor.u32 v8, v19;
	v49 =	vld.idx.msk [tilespmem:v56+s0+$0x0], $0xffff;
	v56 =	vor.u32 v59, v38  }
0x2dd: {  	v54 =	vor.u32 v6, v24;
	v53 =	vadd.f32 v53, v34;
	[tilespmem:v48+s11+$0x0] =	vst.idx.msk $0xffff, v36  }
0x2de: {  	v48 =	vor.u32 v6, v25;
	v34 =	vor.u32 v14, v31;
	v36 =	vld.idx.msk [tilespmem:v47+s2+$0x0], $0xffff;
	v47 =	vor.u32 v3, v27  }
0x2df: {  	v55 =	vld.idx.msk [tilespmem:v57+s0+$0x0], $0xffff;
	v57 =	vor.u32 v12, v40;
	[tilespmem:v46+s11+$0x0] =	vst.idx.msk $0xffff, v53;
	v46 =	vadd.f32 v50, v17  }
0x2e0: {  	v40 =	vor.u32 v7, v40;
	v50 =	vadd.f32 v51, v30;
	v53 =	vld.idx.msk [tilespmem:v43+s0+$0x0], $0xffff;
	v43 =	vadd.f32 v45, v26  }
0x2e1: {  	v45 =	vadd.f32 v49, v16;
	[tilespmem:v1+s11+$0x0] =	vst.idx.msk $0xffff, v46;
	v1 =	vor.u32 v15, v37;
	v37 =	vld.idx.msk [tilespmem:v58+s2+$0x0], $0xffff  }
0x2e2: {  	v51 =	vor.u32 v3, v28;
	v49 =	vor.u32 v11, v21;
	[tilespmem:v54+s11+$0x0] =	vst.idx.msk $0xffff, v50;
	v46 =	vld.idx.msk [tilespmem:v52+s0+$0x0], $0xffff  }
0x2e3: {  	v58 =	vor.u32 v63, v31;
	v52 =	vor.u32 v13, v20;
	[tilespmem:v44+s11+$0x0] =	vst.idx.msk $0xffff, v45;
	v0 =	vld.idx.msk [tilespmem:v0+s0+$0x0], $0xffff  }
0x2e4: {  	v50 =	vor.u32 v10, v19;
	v54 =	vor.u32 v59, v32;
	[tilespmem:v48+s11+$0x0] =	vst.idx.msk $0xffff, v43  }
0x2e5: {  	v45 =	vor.u32 v13, v21;
	v48 =	vadd.f32 v55, v18;
	v55 =	vor.u32 v63, v35;
	v44 =	vld.idx.msk [tilespmem:v47+s0+$0x0], $0xffff  }
0x2e6: {  	v43 =	vor.u32 v7, v39;
	v39 =	vor.u32 v14, v19;
	v47 =	vld.idx.msk [tilespmem:v1+s0+$0x0], $0xffff;
	v1 =	vadd.f32 v53, v37  }
0x2e7: {  	v51 =	vld.idx.msk [tilespmem:v51+s0+$0x0], $0xffff;
	[tilespmem:v57+s11+$0x0] =	vst.idx.msk $0xffff, v48;
	v57 =	vadd.f32 v46, v36;
	v46 =	vor.u32 v12, v19  }
0x2e8: {  	v48 =	vld.idx.msk [tilespmem:v52+s0+$0x0], $0xffff;
	v52 =	vor.u32 v8, v24;
	v53 =	vadd.f32 v0, v17;
	[tilespmem:v58+s11+$0x0] =	vst.idx.msk $0xffff, v1  }
.LBB2_12:
0x2e9: {  	v0 =	vld.idx.msk [tilespmem:v56+s0+$0x0], $0xffff;
	v1 =	vor.u32 v10, v24  }
0x2ea: {  	s17 =	sadd.s32 $0x2, s17;
	v56 =	vmovc v19;
	[tilespmem:v55+s11+$0x0] =	vst.idx.msk $0xffff, v57;
	v55 =	vor.u32 v15, v20;
	v20 =	vmov v28;
	v28 =	vmov v38  }
0x2eb: {  	s12 =	sand.u32 $0xE, s17;
	v38 =	vld.idx.msk [tilespmem:v54+s0+$0x0], $0xffff;
	v54 =	vor.u32 v11, v20;
	[tilespmem:v50+s11+$0x0] =	vst.idx.msk $0xffff, v53;
	v50 =	vor.u32 v62, v32  }
0x2ec: {  	v19 =	vmovc v25;
	v25 =	vmovc v35;
	v51 =	vadd.f32 v51, v30;
	v35 =	vadd.f32 v47, v16;
	v47 =	vadd.s32 s12, v63;
	s12 =	sor.u32 $0x1, s12  }
0x2ed: {  	v49 =	vld.idx.msk [tilespmem:v49+s0+$0x0], $0xffff;
	v48 =	vadd.f32 v48, v18;
	v16 =	vmovc v17;
	v53 =	vand.u32 $0x7, v47;
	v57 =	vadd.s32 s12, v63  }
0x2ee: {  	s25 =	sand.u32 $0x30, s17;
	[tilespmem:v52+s11+$0x0] =	vst.idx.msk $0xffff, v51;
	v59 =	vand.u32 $0xF, v47;
	v47 =	vor.u32 v62, v28;
	v0 =	vadd.f32 v0, v37  }
0x2ef: {  	v17 =	vmovc v26;
	[tilespmem:v43+s11+$0x0] =	vst.idx.msk $0xffff, v35;
	v58 =	vand.u32 $0xF, v57;
	v35 =	vor.u32 s25, v59;
	v43 =	vor.u32 v61, v25  }
0x2f0: {  	v26 =	vmovc v36;
	v51 =	vld.idx.msk [tilespmem:v33+s0+$0x0], $0xffff;
	[tilespmem:v22+s11+$0x0] =	vst.idx.msk $0xffff, v48;
	v52 =	vand.u32 $0x7, v57;
	v59 =	vor.u32 s25, v58;
	v62 =	vand.u32 $0x38, v35  }
0x2f1: {  	v22 =	vmovc v29;
	v36 =	vld.idx.msk [tilespmem:v55+s0+$0x0], $0xffff;
	v35 =	vshll.u32 v35, $0x7;
	[tilespmem:v41+s11+$0x0] =	vst.idx.msk $0xffff, v0;
	v48 =	vand.u32 $0x38, v59;
	v58 =	vshll.u32 v59, $0x7  }
0x2f2: {  	v29 =	vmovc v34;
	v53 =	vor.u32 v53, v62;
	v62 =	vadd.f32 v38, v26;
	v59 =	vadd.f32 v49, v16  }
0x2f3: {  	v57 =	vmovc v37;
	v55 =	vor.u32 v63, v35;
	v61 =	vor.u32 v61, v58;
	v0 =	vor.u32 v23, v53  }
0x2f4: {  	v38 =	vor.u32 v52, v48;
	v34 =	vor.u32 v14, v58;
	v37 =	vld.idx.msk [tilespmem:v47+s0+$0x0], $0xffff;
	v47 =	vor.u32 v60, v53  }
0x2f5: {  	v48 =	vor.u32 v23, v38;
	[tilespmem:v43+s11+$0x0] =	vst.idx.msk $0xffff, v62;
	v62 =	vadd.f32 v51, v30  }
0x2f6: {  	v33 =	vmov v42;
	v41 =	vmov v61;
	v61 =	vor.u32 v60, v38;
	v49 =	vld.idx.msk [tilespmem:v50+s0+$0x0], $0xffff;
	[tilespmem:v46+s11+$0x0] =	vst.idx.msk $0xffff, v59  }
0x2f7: {  	v36 =	vadd.f32 v36, v18;
	v46 =	vor.u32 v8, v19;
	v45 =	vld.idx.msk [tilespmem:v45+s0+$0x0], $0xffff;
	[tilespmem:v1+s11+$0x0] =	vst.idx.msk $0xffff, v62  }
0x2f8: {  	v42 =	vor.u32 v9, v38;
	v51 =	vor.u32 v9, v27;
	v1 =	vor.u32 v6, v25;
	v52 =	vld.idx.msk [tilespmem:v54+s0+$0x0], $0xffff  }
0x2f9: {  	v50 =	vor.u32 v6, v31;
	[tilespmem:v40+s11+$0x0] =	vst.idx.msk $0xffff, v36;
	v36 =	vld.idx.msk [tilespmem:v0+s2+$0x0], $0xffff;
	v0 =	vor.u32 v3, v32  }
0x2fa: {  	v40 =	vadd.f32 v44, v17;
	v54 =	vor.u32 v15, v21;
	v21 =	vmovc v27;
	v27 =	vmovc v32;
	v32 =	vmov v53;
	v53 =	vld [tilespmem:$0x1FFF0]  }
0x2fb: {  	v60 =	vor.u32 v3, v28;
	v18 =	vmov v30;
	v59 =	vld.idx.msk [tilespmem:v61+s0+$0x0], $0xffff;
	v49 =	vadd.f32 v49, v26  }
0x2fc: {  	v30 =	vadd.f32 v37, v57;
	v61 =	vor.u32 v12, v24;
	v37 =	vld.idx.msk [tilespmem:v48+s2+$0x0], $0xffff;
	[tilespmem:v46+s11+$0x0] =	vst.idx.msk $0xffff, v40  }
0x2fd: {  	v43 =	vor.u32 v7, v56;
	v40 =	vor.u32 v13, v20;
	v46 =	vld.idx.msk [tilespmem:v47+s0+$0x0], $0xffff;
	[tilespmem:v1+s11+$0x0] =	vst.idx.msk $0xffff, v49  }
0x2fe: {  	v62 =	vor.u32 v63, v58;
	[tilespmem:v50+s11+$0x0] =	vst.idx.msk $0xffff, v30;
	v50 =	vadd.f32 v45, v16;
	v1 =	vld.idx.msk [tilespmem:v51+s0+$0x0], $0xffff  }
0x2ff: {  	p0 =	slt.u32 s17, $0x3E;
	v45 =	vor.u32 v13, v21;
	v56 =	vor.u32 v53, v38;
	v44 =	vld.idx.msk [tilespmem:v0+s0+$0x0], $0xffff;
	v0 =	vadd.f32 v52, v18  }
.Ltmp5:
0x300: {  	v49 =	vor.u32 v11, v21;
	[tilespmem:v39+s11+$0x0] =	vst.idx.msk $0xffff, v50;
	v50 =	vor.u32 v10, v19;
	v51 =	vld.idx.msk [tilespmem:v60+s0+$0x0], $0xffff;
	(pc) =	sbr.rel @p0 .LBB2_12-.Ltmp5, $4  }
0x301: {  	v30 =	vmov v57;
	v60 =	vmov v2;
	v39 =	vor.u32 v14, v19;
	v47 =	vld.idx.msk [tilespmem:v54+s0+$0x0], $0xffff;
	[tilespmem:v61+s11+$0x0] =	vst.idx.msk $0xffff, v0  }
0x302: {  	v54 =	vor.u32 v53, v32;
	v0 =	vadd.f32 v59, v37;
	v48 =	vld.idx.msk [tilespmem:v40+s0+$0x0], $0xffff;
	v40 =	vor.u32 v7, v24  }
0x303: {  	v61 =	vmovc v4;
	v57 =	vadd.f32 v46, v36;
	v46 =	vor.u32 v12, v19;
	v24 =	vmovc v31;
	v31 =	vmov v58  }
0x304: {  	[tilespmem:v62+s11+$0x0] =	vst.idx.msk $0xffff, v0;
	v62 =	vmov v5;
	v52 =	vor.u32 v8, v24;
	v53 =	vadd.f32 v1, v17  }
0x305: {  	_ =	sdelay $0x3  }
0x306: {  	[tilespmem:v55+s11+$0x0] =	vst.idx.msk $0xffff, v57;
	v0 =	vld.idx.msk [tilespmem:v56+s0+$0x0], $0xffff  }
0x307: {  	v1 =	vld.idx.msk [tilespmem:v54+s0+$0x0], $0xffff;
	_ =	sdelay $0x1  }
0x308: {  	v23 =	vor.u32 v62, v38;
	v58 =	vor.u32 v61, v35  }
0x309: {  	v59 =	vor.u32 v62, v32  }
0x30a: {  	v0 =	vadd.f32 v0, v37  }
0x30b: {  	v1 =	vadd.f32 v1, v36  }
0x30c: {  	[tilespmem:v41+s11+$0x0] =	vst.idx.msk $0xffff, v0  }
0x30d: {  	v0 =	vld.idx.msk [tilespmem:v23+s0+$0x0], $0xffff;
	[tilespmem:v58+s11+$0x0] =	vst.idx.msk $0xffff, v1  }
0x30e: {  	v1 =	vld.idx.msk [tilespmem:v59+s0+$0x0], $0xffff  }
0x30f: {  	v23 =	vor.u32 v6, v31  }
0x310: {  	v57 =	vor.u32 v6, v35;
	v58 =	vor.u32 v3, v38  }
0x311: {  	v59 =	vor.u32 v3, v32  }
0x312: {  	v0 =	vadd.f32 v0, v37  }
0x313: {  	v1 =	vadd.f32 v1, v36  }
0x314: {  	[tilespmem:v23+s11+$0x0] =	vst.idx.msk $0xffff, v0  }
0x315: {  	[tilespmem:v57+s11+$0x0] =	vst.idx.msk $0xffff, v1;
	v0 =	vld.idx.msk [tilespmem:v58+s0+$0x0], $0xffff  }
0x316: {  	v1 =	vor.u32 v8, v25;
	v23 =	vld.idx.msk [tilespmem:v59+s0+$0x0], $0xffff  }
0x317: {  	v54 =	vor.u32 v8, v31;
	v41 =	vor.u32 v9, v27  }
0x318: {  	v51 =	vadd.f32 v51, v30;
	v55 =	vor.u32 v8, v35  }
0x319: {  	v44 =	vadd.f32 v44, v26;
	v56 =	vor.u32 v9, v32  }
0x31a: {  	[tilespmem:v52+s11+$0x0] =	vst.idx.msk $0xffff, v51;
	v0 =	vadd.f32 v0, v37  }
0x31b: {  	v33 =	vld.idx.msk [tilespmem:v33+s0+$0x0], $0xffff;
	[tilespmem:v1+s11+$0x0] =	vst.idx.msk $0xffff, v44;
	v1 =	vadd.f32 v23, v36  }
0x31c: {  	v57 =	vld.idx.msk [tilespmem:v41+s0+$0x0], $0xffff;
	[tilespmem:v54+s11+$0x0] =	vst.idx.msk $0xffff, v0  }
0x31d: {  	v0 =	vor.u32 v10, v24;
	v41 =	vld.idx.msk [tilespmem:v42+s0+$0x0], $0xffff;
	[tilespmem:v55+s11+$0x0] =	vst.idx.msk $0xffff, v1  }
0x31e: {  	v1 =	vor.u32 v11, v28;
	v42 =	vor.u32 v10, v25;
	v58 =	vld.idx.msk [tilespmem:v56+s0+$0x0], $0xffff  }
0x31f: {  	v52 =	vor.u32 v10, v31;
	v59 =	vor.u32 v11, v27  }
0x320: {  	v33 =	vadd.f32 v33, v30;
	v54 =	vor.u32 v11, v38;
	v55 =	vor.u32 v10, v35  }
0x321: {  	[tilespmem:v50+s11+$0x0] =	vst.idx.msk $0xffff, v53;
	v23 =	vadd.f32 v57, v26;
	v57 =	vor.u32 v11, v32  }
0x322: {  	v49 =	vld.idx.msk [tilespmem:v49+s0+$0x0], $0xffff;
	[tilespmem:v0+s11+$0x0] =	vst.idx.msk $0xffff, v33;
	v0 =	vadd.f32 v41, v37  }
0x323: {  	v1 =	vld.idx.msk [tilespmem:v1+s0+$0x0], $0xffff;
	[tilespmem:v42+s11+$0x0] =	vst.idx.msk $0xffff, v23;
	v58 =	vadd.f32 v58, v36  }
0x324: {  	v59 =	vld.idx.msk [tilespmem:v59+s0+$0x0], $0xffff;
	[tilespmem:v52+s11+$0x0] =	vst.idx.msk $0xffff, v0  }
0x325: {  	v0 =	vor.u32 v12, v24;
	v41 =	vld.idx.msk [tilespmem:v54+s0+$0x0], $0xffff;
	[tilespmem:v55+s11+$0x0] =	vst.idx.msk $0xffff, v58  }
0x326: {  	v23 =	vor.u32 v13, v28;
	v42 =	vor.u32 v12, v25;
	v44 =	vld.idx.msk [tilespmem:v57+s0+$0x0], $0xffff  }
0x327: {  	v50 =	vor.u32 v13, v27;
	v49 =	vadd.f32 v49, v17;
	v56 =	vor.u32 v12, v31  }
0x328: {  	v58 =	vor.u32 v12, v35;
	v57 =	vor.u32 v13, v38;
	v1 =	vadd.f32 v1, v30  }
0x329: {  	[tilespmem:v46+s11+$0x0] =	vst.idx.msk $0xffff, v49;
	v33 =	vadd.f32 v59, v26;
	v59 =	vor.u32 v13, v32  }
0x32a: {  	v45 =	vld.idx.msk [tilespmem:v45+s0+$0x0], $0xffff;
	[tilespmem:v0+s11+$0x0] =	vst.idx.msk $0xffff, v1;
	v0 =	vadd.f32 v41, v37  }
0x32b: {  	v1 =	vld.idx.msk [tilespmem:v23+s0+$0x0], $0xffff;
	[tilespmem:v42+s11+$0x0] =	vst.idx.msk $0xffff, v33;
	v44 =	vadd.f32 v44, v36  }
0x32c: {  	v20 =	vor.u32 v15, v20;
	v33 =	vld.idx.msk [tilespmem:v50+s0+$0x0], $0xffff;
	[tilespmem:v56+s11+$0x0] =	vst.idx.msk $0xffff, v0  }
0x32d: {  	v21 =	vor.u32 v15, v21;
	v0 =	vadd.f32 v48, v18;
	v48 =	vld.idx.msk [tilespmem:v57+s0+$0x0], $0xffff;
	[tilespmem:v58+s11+$0x0] =	vst.idx.msk $0xffff, v44  }
0x32e: {  	v49 =	vor.u32 v14, v25;
	v50 =	vor.u32 v15, v28;
	v51 =	vld.idx.msk [tilespmem:v59+s0+$0x0], $0xffff  }
0x32f: {  	v52 =	vor.u32 v15, v27;
	[tilespmem:v22+s11+$0x0] =	vst.idx.msk $0xffff, v0;
	v0 =	vadd.f32 v45, v17  }
0x330: {  	v53 =	vor.u32 v14, v35;
	v54 =	vor.u32 v15, v38;
	v1 =	vadd.f32 v1, v30  }
0x331: {  	v55 =	vor.u32 v15, v32;
	v20 =	vld.idx.msk [tilespmem:v20+s0+$0x0], $0xffff;
	[tilespmem:v39+s11+$0x0] =	vst.idx.msk $0xffff, v0;
	v0 =	vadd.f32 v33, v26  }
0x332: {  	v21 =	vld.idx.msk [tilespmem:v21+s0+$0x0], $0xffff;
	[tilespmem:v29+s11+$0x0] =	vst.idx.msk $0xffff, v1;
	v1 =	vadd.f32 v48, v37  }
0x333: {  	v28 =	vld.idx.msk [tilespmem:v50+s0+$0x0], $0xffff;
	[tilespmem:v49+s11+$0x0] =	vst.idx.msk $0xffff, v0;
	v0 =	vadd.f32 v51, v36  }
0x334: {  	v19 =	vor.u32 v7, v19;
	v22 =	vld.idx.msk [tilespmem:v52+s0+$0x0], $0xffff;
	[tilespmem:v34+s11+$0x0] =	vst.idx.msk $0xffff, v1  }
0x335: {  	v1 =	vadd.f32 v47, v16;
	v16 =	vor.u32 v7, v24;
	v56 =	vld.idx.msk [tilespmem:v54+s0+$0x0], $0xffff;
	[tilespmem:v53+s11+$0x0] =	vst.idx.msk $0xffff, v0  }
0x336: {  	v57 =	vor.u32 v7, v25;
	v0 =	vadd.f32 v20, v18;
	v58 =	vld.idx.msk [tilespmem:v55+s0+$0x0], $0xffff  }
0x337: {  	[tilespmem:v43+s11+$0x0] =	vst.idx.msk $0xffff, v1;
	v1 =	vadd.f32 v21, v17;
	v17 =	vor.u32 v7, v31  }
0x338: {  	s28 =	sadd.s32 $0x1, s28;
	v59 =	vor.u32 v7, v35;
	[tilespmem:v40+s11+$0x0] =	vst.idx.msk $0xffff, v0;
	v0 =	vadd.f32 v28, v30  }
0x339: {  	p0 =	sne.s32 s28, $0x32;
	[tilespmem:v19+s11+$0x0] =	vst.idx.msk $0xffff, v1;
	v1 =	vadd.f32 v22, v26  }
.Ltmp6:
0x33a: {  	s8 =	sshll.u32 s8, $0x12;
	[tilespmem:v16+s11+$0x0] =	vst.idx.msk $0xffff, v0;
	v0 =	vadd.f32 v56, v37;
	(pc) =	sbr.rel @p0 .LBB2_2-.Ltmp6, $4  }
0x33b: {  	s8 =	sor.u32 s5, s8;
	[tilespmem:v57+s11+$0x0] =	vst.idx.msk $0xffff, v1;
	v1 =	vadd.f32 v58, v36  }
0x33c: {  	s8 =	sshrl.u32 s8, $0x3;
	[tilespmem:v17+s11+$0x0] =	vst.idx.msk $0xffff, v0  }
0x33d: {  	s8 =	sadd.s32 s7, s8;
	[tilespmem:v59+s11+$0x0] =	vst.idx.msk $0xffff, v1  }
0x33e: {  	[hbm4b:s8+s23] =	stream.strided.scatter [tilespmem:s11], [sflag:$0xC], $0x2000, s18, s23, $0x38;
	v0 =	vld [tilespmem:$0x1FFF0]  }
0x33f: {  	s8 =	simm.s32 $0x9  }
0x340: {  	_ =	swait.ge [sflag:s8], $0x2000  }
0x341: {  	[sflag:s8] =	ssyncset.done $0x0  }
0x342: {  	s22 =	simm.s32 $0xA;
	[sflag:s8] =	ssyncadd.s32 $0xFFFFE000  }
0x343: {  	_ =	swait.ge [sflag:s22], $0x2000  }
0x344: {  	[sflag:s22] =	ssyncset.done $0x0  }
0x345: {  	s25 =	simm.s32 $0xB;
	[sflag:s22] =	ssyncadd.s32 $0xFFFFE000  }
0x346: {  	_ =	swait.ge [sflag:s25], $0x2000  }
0x347: {  	[sflag:s25] =	ssyncset.done $0x0  }
0x348: {  	s12 =	simm.s32 $0xC;
	[sflag:s25] =	ssyncadd.s32 $0xFFFFE000  }
0x349: {  	_ =	swait.ge [sflag:s12], $0x2000  }
0x34a: {  	s13 =	rddreg [dreg:$0xb]  }
0x34b: {  	s28 =	rddreg [dreg:$0xa];
	s13 =	sadd.s32 $0x1, s13  }
0x34c: {  	p0 =	sne.s32 s13, s28  }
.Ltmp7:
0x34d: {  	_ = 	snop;
	(pc) =	sbr.rel @p0 .LBB2_1-.Ltmp7, $3  }
0x34e: {  	_ =	sdelay $0x1  }
0x34f: {  	[sflag:s12] =	ssyncset.done $0x0  }
0x350: {  	[sflag:s12] =	ssyncadd.s32 $0xFFFFE000  }
0x351: {  	_ =	sfence.sel $0x180000  }
0x352: {  	[bflag:$0x0] =	sbarrier.arrive $0xFFFF  }
0x353: {  	_ =	strace $0x90000047  }
0x354: {  	s0 =	stileid.u32;
	[bflag:$0x2] =	sbarrier.arrive $0xFFFF  }
0x355: {  	p0 =	sne.s32 s0, $0x0;
	s0 =	rddreg [dreg:$0x1]  }
0x356: {  	s0 =	sadd.s32 @!p0 $0x100000, s0  }
0x357: {  	[sflag:s0] =	ssyncadd.tile.s32 @!p0 $0x1;
	_ =	shalt  }
.Lfunc_end2:
_tile_overlayer_lowered:
.L_overlay_start_2:
0x358: {  	(tag) =	ssettag $0x2  }
0x359: {  	s0 =	rddreg [dreg:$0x0];
	s2 =	stileid.u32  }
0x35a: {  	s1 =	rddreg [dreg:$0x1];
	p0 =	sne.s32 s2, $0x0  }
0x35b: {  	s3 =	rddreg [dreg:$0x2];
	[bflag:$0x3] =	sbarrier.arrive $0xFFFF;
	s2 =	simm.s32 @!p0 $0x1C0D  }
0x35c: {  	[timem:s3], [sflag:s2] =	dma.local @!p0 [hbm:s0], s1  }
0x35d: {  	s0 =	simm.s32 @!p0 $0xD  }
0x35e: {  	_ =	swait.ge @!p0 [sflag:s0], s1  }
0x35f: {  	s1 =	ssub.s32 @!p0 $0x0, s1;
	[sflag:s0] =	ssyncset.done @!p0 $0x0  }
0x360: {  	[sflag:s0] =	ssyncadd.s32 @!p0 s1  }
0x361: {  	[bflag:$0x3] =	sbarrier.arrive $0xFFFF  }
0x362: {  	_ =	shalt  }

</sc_bundles>
